<compile_context>
chip_gen: v7x
topology: tpu7x:2x2x1
jax: 0.10.2.dev20260603
libtpu: 0.0.44.dev20260713+nightly
codegen_flags: <defaults>
</compile_context>

<pallas_src>
import functools

import jax
import jax.numpy as jnp
from jax import lax
from jax.experimental import pallas as pl
from jax.experimental.pallas import tpu as pltpu
from jax.experimental.pallas import tpu_sc as plsc

NC = 2
NS = 16
DH = 128
DW = 16
K = 128
CPT = 80
ZR = 80
NBUF = 2


@functools.partial(jax.jit, static_argnums=(5,))
def _sc_segment_sum(xr, src2d, dst2d, z128, z16, n):
    npad = (n + ZR) // ZR * ZR
    nz = npad // ZR
    nw = n // ZR
    half = CPT // 2

    mesh = plsc.VectorSubcoreMesh(
        core_axis_name="c", subcore_axis_name="s", num_cores=NC,
        num_subcores=NS)

    @functools.partial(
        pl.kernel,
        out_type=(jax.ShapeDtypeStruct((NC, n, DH), jnp.float32),
                  jax.ShapeDtypeStruct((NC, n, DW), jnp.float32)),
        mesh=mesh,
        scratch_types=[
            pltpu.VMEM_SHARED((npad, DH), jnp.float32),
            pltpu.VMEM_SHARED((npad, DW), jnp.float32),
            tuple(pltpu.VMEM((K,), jnp.int32)
                  for _ in range(4)),
            tuple(pltpu.VMEM((K,), jnp.int32)
                  for _ in range(4)),
            tuple(pltpu.VMEM((K, DH), jnp.float32)
                  for _ in range(NBUF)),
            pltpu.VMEM((K, DW), jnp.float32),
            tuple(pltpu.SemaphoreType.DMA for _ in range(4)),
            tuple(pltpu.SemaphoreType.DMA for _ in range(NBUF)),
            tuple(pltpu.SemaphoreType.DMA for _ in range(NBUF)),
            pltpu.SemaphoreType.DMA,
        ],
        compiler_params=pltpu.CompilerParams(use_tc_tiling_on_sc=False),
    )
    def body(xr_hbm, src_hbm, dst_hbm, z128_hbm, z16_hbm, s_out, d_out,
             s_sh, d_sh, sidx_v, didx_v, rows, ones_v, isem, gsem, ssem,
             dsem):
        cid = lax.axis_index("c")
        sid = lax.axis_index("s")

        one16 = jnp.ones((DW,), jnp.float32)

        def obody(i, _):
            ones_v[i, pl.ds(0, DW)] = one16
            return 0

        lax.fori_loop(0, K, obody, 0)

        def start_idx(c, ib):
            pltpu.async_copy(src_hbm.at[cid, sid, c], sidx_v[ib], isem[ib])
            pltpu.async_copy(dst_hbm.at[sid, c], didx_v[ib], isem[ib])

        def wait_idx(c, ib):
            pltpu.make_async_copy(src_hbm.at[cid, sid, c], sidx_v[ib],
                                  isem[ib]).wait()
            pltpu.make_async_copy(dst_hbm.at[sid, c], didx_v[ib],
                                  isem[ib]).wait()

        def start_gather(ib, b):
            pltpu.async_copy(xr_hbm.at[sidx_v[ib]], rows[b], gsem[b])

        def wait_gather(ib, b):
            pltpu.make_async_copy(xr_hbm.at[sidx_v[ib]], rows[b],
                                  gsem[b]).wait()

        start_idx(0, 0)
        start_idx(1, 1)
        wait_idx(0, 0)
        start_gather(0, 0)

        def zbody(j, _):
            ch = sid + j * NS

            @pl.when(ch < nz)
            def _():
                pltpu.sync_copy(z128_hbm, s_sh.at[pl.ds(ch * ZR, ZR)])
                pltpu.sync_copy(z16_hbm, d_sh.at[pl.ds(ch * ZR, ZR)])
            return 0

        lax.fori_loop(0, (nz + NS - 1) // NS, zbody, 0)
        plsc.subcore_barrier()

        start_idx(2, 2)
        start_idx(3, 3)
        wait_idx(1, 1)
        start_gather(1, 1)

        first_mine = jnp.where(cid == 0, 0, half)
        last_mine = jnp.where(cid == 0, half - 1, CPT - 1)

        def ebody(blk, _):
            for j in range(4):
                c = blk * 4 + j
                b = j % NBUF
                pltpu.make_async_copy(xr_hbm.at[sidx_v[j]], rows[b],
                                      gsem[b]).wait()
                pltpu.async_copy(rows[b], s_sh.at[didx_v[j]], ssem[b],
                                 add=True)
                mine = jnp.where(cid == 0, c < half, c >= half)

                @pl.when(mine & (c != first_mine))
                def _():
                    pltpu.make_async_copy(ones_v, d_sh.at[didx_v[j]],
                                          dsem).wait()

                @pl.when(mine)
                def _():
                    pltpu.async_copy(ones_v, d_sh.at[didx_v[j]], dsem,
                                     add=True)

                @pl.when(mine & (c == last_mine))
                def _():
                    pltpu.make_async_copy(ones_v, d_sh.at[didx_v[j]],
                                          dsem).wait()

                @pl.when(c + 2 < CPT)
                def _():
                    pltpu.make_async_copy(rows[b], s_sh.at[didx_v[j]],
                                          ssem[b]).wait()

                    @pl.when(c + 4 < CPT)
                    def _():
                        start_idx(c + 4, j)

                    wait_idx(c + 2, (j + 2) % 4)
                    pltpu.async_copy(xr_hbm.at[sidx_v[(j + 2) % 4]],
                                     rows[b], gsem[b])
            return 0

        lax.fori_loop(0, CPT // 4, ebody, 0)
        pltpu.make_async_copy(rows[0], s_sh.at[didx_v[2]], ssem[0]).wait()
        pltpu.make_async_copy(rows[1], s_sh.at[didx_v[3]], ssem[1]).wait()
        plsc.subcore_barrier()

        def wbody(j, _):
            ch = sid + j * NS

            @pl.when(ch < nw)
            def _():
                pltpu.sync_copy(s_sh.at[pl.ds(ch * ZR, ZR)],
                                s_out.at[cid, pl.ds(ch * ZR, ZR)])
                pltpu.sync_copy(d_sh.at[pl.ds(ch * ZR, ZR)],
                                d_out.at[cid, pl.ds(ch * ZR, ZR)])
            return 0

        lax.fori_loop(0, (nw + NS - 1) // NS, wbody, 0)

    return body(xr, src2d, dst2d, z128, z16)


def _tc_combine(x, s2, d2, v4, b_sum):
    n, d = x.shape
    bn = 2000

    def body(x_ref, s_ref, d_ref, v_ref, b_ref, o_ref):
        s0 = s_ref[0]
        s1 = s_ref[1]
        xb = x_ref[...]
        deg = d_ref[0, :, 0:1] + d_ref[1, :, 0:1]
        acc = jnp.dot(xb[:, :DH] * s0, v_ref[0],
                      preferred_element_type=jnp.float32)
        acc += jnp.dot(xb[:, DH:] * s1, v_ref[1],
                       preferred_element_type=jnp.float32)
        acc += jnp.dot(s0, v_ref[2], preferred_element_type=jnp.float32)
        acc += jnp.dot(s1, v_ref[3], preferred_element_type=jnp.float32)
        acc += deg * b_ref[...]
        o_ref[...] = acc / jnp.maximum(deg, 1.0)

    return pl.pallas_call(
        body,
        grid=(n // bn,),
        in_specs=[
            pl.BlockSpec((bn, d), lambda i: (i, 0)),
            pl.BlockSpec((NC, bn, DH), lambda i: (0, i, 0)),
            pl.BlockSpec((NC, bn, DW), lambda i: (0, i, 0)),
            pl.BlockSpec((4, DH, d), lambda i: (0, 0, 0)),
            pl.BlockSpec((1, d), lambda i: (0, 0)),
        ],
        out_specs=pl.BlockSpec((bn, d), lambda i: (i, 0)),
        out_shape=jax.ShapeDtypeStruct((n, d), jnp.float32),
    )(x, s2, d2, v4, b_sum)


def kernel(x, edge_index, W_msg, b_msg, W_nb, b_nb):
    n, d = x.shape
    e = edge_index.shape[1]
    src = edge_index[0]
    dst = edge_index[1]

    epad = NS * CPT * K
    pad = epad - e
    srcp = jnp.concatenate([src, jnp.zeros((pad,), jnp.int32)])
    dstp = jnp.concatenate([dst, jnp.full((pad,), n, jnp.int32)])
    xr = x.reshape(2 * n, DH)
    src2d = jnp.stack([2 * srcp, 2 * srcp + 1]).reshape(NC, NS, CPT, K)
    dst2d = dstp.reshape(NS, CPT, K)
    z128 = jnp.zeros((ZR, DH), jnp.float32)
    z16 = jnp.zeros((ZR, DW), jnp.float32)

    s2, d2 = _sc_segment_sum(xr, src2d, dst2d, z128, z16, n)

    v4 = jnp.stack([W_msg[:, :DH].T, W_msg[:, DH:].T,
                    W_nb[:, :DH].T, W_nb[:, DH:].T])
    b_sum = (b_msg + b_nb).reshape(1, d)
    return _tc_combine(x, s2, d2, v4, b_sum)

# --- scband reference (transcript-rebuilt; emitter-appended) ---
"""Pipeline reference for scband-hadamard-conv-22179211116726 (READ-ONLY COPY).

The authoritative reference and input builder live on the scoring server;
editing this copy changes nothing except your own understanding.
"""

import jax, jax.numpy as jnp
import numpy as np

N = 10000
E = 160000
D = 256

def setup_inputs(seed: int = 0) -> dict:
    key = jax.random.key(seed)
    k1, k2, k3, k4 = jax.random.split(key, 4)
    x = jax.random.normal(k1, (N, D), dtype=jnp.float32)
    edge_index = jax.random.randint(k2, (2, E), 0, N, dtype=jnp.int32)
    # xavier-uniform-ish init, std ~ sqrt(2/(fan_in+fan_out)) = 0.0625 for 256x256
    W_msg = jax.random.normal(k3, (D, D), dtype=jnp.float32) * 0.0625
    b_msg = jnp.zeros((D,), dtype=jnp.float32)
    W_nb = jax.random.normal(k4, (D, D), dtype=jnp.float32) * 0.0625
    b_nb = jnp.zeros((D,), dtype=jnp.float32)
    return {"x": x, "edge_index": edge_index, "W_msg": W_msg, "b_msg": b_msg, "W_nb": W_nb, "b_nb": b_nb}

def reference(x, edge_index, W_msg, b_msg, W_nb, b_nb):
    # NGCF message path of HadamardConv
    src = edge_index[0]
    dst = edge_index[1]
    # fn.u_mul_v('el','er','e'): hadamard product of src and dst features per edge
    e = x[src] * x[dst]
    # msg_weight linear on edge features (torch Linear: y = e @ W.T + b)
    e_trans = e @ W_msg.T + b_msg
    # neighbor_weight linear on source node features
    u_trans = x @ W_nb.T + b_nb
    # fn.u_add_e('u_trans','e_trans','msg')
    msg = u_trans[src] + e_trans
    # update_all(copy_e, mean): segment-mean over incoming edges per dst node
    h_sum = jax.ops.segment_sum(msg, dst, num_segments=N)
    deg = jax.ops.segment_sum(jnp.ones((E,), dtype=jnp.float32), dst, num_segments=N)
    h = h_sum / jnp.maximum(deg, 1.0)[:, None]
    return h

if __name__ == "__main__":
    import jax
    _d = setup_inputs()
    print(jax.jit(kernel)(*tuple(_d.values())))

</pallas_src>

<mosaic_0001>
#map = affine_map<(d0, d1) -> (0, 0)>
#map1 = affine_map<(d0, d1) -> (0, 0, 0, 0)>
#map2 = affine_map<(d0, d1) -> (0, 0, 0)>
module attributes {stable_mosaic.version = 14 : i64} {
  func.func @body(%arg0: i32, %arg1: i32, %arg2: memref<20000x128xf32, #tpu.memory_space<hbm>>, %arg3: memref<2x16x80x128xi32, #tpu.memory_space<hbm>>, %arg4: memref<16x80x128xi32, #tpu.memory_space<hbm>>, %arg5: memref<80x128xf32, #tpu.memory_space<hbm>>, %arg6: memref<80x16xf32, #tpu.memory_space<hbm>>, %arg7: memref<2x10000x128xf32, #tpu.memory_space<hbm>>, %arg8: memref<2x10000x16xf32, #tpu.memory_space<hbm>>, %arg9: memref<10080x128xf32, #tpu.memory_space<vmem_shared>>, %arg10: memref<10080x16xf32, #tpu.memory_space<vmem_shared>>, %arg11: memref<128xi32, #tpu.memory_space<vmem>>, %arg12: memref<128xi32, #tpu.memory_space<vmem>>, %arg13: memref<128xi32, #tpu.memory_space<vmem>>, %arg14: memref<128xi32, #tpu.memory_space<vmem>>, %arg15: memref<128xi32, #tpu.memory_space<vmem>>, %arg16: memref<128xi32, #tpu.memory_space<vmem>>, %arg17: memref<128xi32, #tpu.memory_space<vmem>>, %arg18: memref<128xi32, #tpu.memory_space<vmem>>, %arg19: memref<128x128xf32, #tpu.memory_space<vmem>>, %arg20: memref<128x128xf32, #tpu.memory_space<vmem>>, %arg21: memref<128x16xf32, #tpu.memory_space<vmem>>, %arg22: memref<!tpu.dma_semaphore, #tpu.memory_space<semaphore_mem>>, %arg23: memref<!tpu.dma_semaphore, #tpu.memory_space<semaphore_mem>>, %arg24: memref<!tpu.dma_semaphore, #tpu.memory_space<semaphore_mem>>, %arg25: memref<!tpu.dma_semaphore, #tpu.memory_space<semaphore_mem>>, %arg26: memref<!tpu.dma_semaphore, #tpu.memory_space<semaphore_mem>>, %arg27: memref<!tpu.dma_semaphore, #tpu.memory_space<semaphore_mem>>, %arg28: memref<!tpu.dma_semaphore, #tpu.memory_space<semaphore_mem>>, %arg29: memref<!tpu.dma_semaphore, #tpu.memory_space<semaphore_mem>>, %arg30: memref<!tpu.dma_semaphore, #tpu.memory_space<semaphore_mem>>) attributes {dimension_semantics = [#tpu.dimension_semantics<core_parallel>, #tpu.dimension_semantics<subcore_parallel>], iteration_bounds = array<i64: 2, 16>, scalar_prefetch = 0 : i64, scratch_operands = 22 : i64, tpu.core_type = #tpu.core_type<sc_vector_subcore>, window_params = [{transform_indices = #map}, {transform_indices = #map1}, {transform_indices = #map2}, {transform_indices = #map}, {transform_indices = #map}, {transform_indices = #map2}, {transform_indices = #map2}]} {
    %broadcast_in_dim3A = arith.constant 1.000000e+00 : f32
    %broadcast_in_dim3A_0 = vector.broadcast %broadcast_in_dim3A : f32 to vector<16xf32>
    %scan3A = arith.constant 0 : i32
    %scan3A_1 = arith.constant 0 : i32
    %scan3A_2 = arith.constant 128 : i32
    %scan3A_3 = arith.addi %scan3A_1, %scan3A_2 : i32
    %scan3A_4 = arith.constant 1 : i32
    %scan3A_5 = scf.for %scan3A_130 = %scan3A_1 to %scan3A_3 step %scan3A_4 iter_args(%scan3A_131 = %scan3A) -> (i32)  : i32 {
      %swap3A = arith.index_cast %scan3A_130 : i32 to index
      %swap3A_132 = arith.constant 0 : index
      %swap3A_133 = tpu.vector_load %arg21[%swap3A, %swap3A_132] {strides = array<i32>} : memref<128x16xf32, #tpu.memory_space<vmem>>, vector<1x16xf32>,
      %swap3A_134 = vector.shape_cast %swap3A_133 : vector<1x16xf32> to vector<16xf32>
      %swap3A_135 = vector.shape_cast %broadcast_in_dim3A_0 : vector<16xf32> to vector<1x16xf32>
      tpu.vector_store %arg21[%swap3A, %swap3A_132], %swap3A_135 {strides = array<i32>} : memref<128x16xf32, #tpu.memory_space<vmem>>, vector<1x16xf32>,
      %scan3A_136 = arith.constant 0 : i32
      scf.yield %scan3A_136 : i32
    }
    %scan3A_6 = arith.constant 128 : i32
    %dma_start3A = arith.constant 0 : i32
    %dma_start3A_7 = arith.constant 0 : i32
    %dma_start3A_8 = tpu.memref_slice %arg3[%arg0, %arg1, %dma_start3A, %dma_start3A_7] : memref<2x16x80x128xi32, #tpu.memory_space<hbm>> -> memref<1x1x1x128xi32, #tpu.memory_space<hbm>>
    %dma_start3A_9 = tpu.memref_squeeze %dma_start3A_8 : memref<1x1x1x128xi32, #tpu.memory_space<hbm>> -> memref<128xi32, #tpu.memory_space<hbm>>
    %dma_start3A_10 = arith.constant 0 : i32
    %dma_start3A_11 = tpu.memref_slice %arg3[%arg0, %arg1, %dma_start3A, %dma_start3A_10] : memref<2x16x80x128xi32, #tpu.memory_space<hbm>> -> memref<1x1x1x128xi32, #tpu.memory_space<hbm>>
    %dma_start3A_12 = tpu.memref_squeeze %dma_start3A_11 : memref<1x1x1x128xi32, #tpu.memory_space<hbm>> -> memref<128xi32, #tpu.memory_space<hbm>>
    tpu.enqueue_dma source(%dma_start3A_12 : memref<128xi32, #tpu.memory_space<hbm>>) target(%arg11 : memref<128xi32, #tpu.memory_space<vmem>>) target_semaphore(%arg22 : memref<!tpu.dma_semaphore, #tpu.memory_space<semaphore_mem>>)
    %dma_start3A_13 = arith.constant 0 : i32
    %dma_start3A_14 = arith.constant 0 : i32
    %dma_start3A_15 = tpu.memref_slice %arg4[%arg1, %dma_start3A_13, %dma_start3A_14] : memref<16x80x128xi32, #tpu.memory_space<hbm>> -> memref<1x1x128xi32, #tpu.memory_space<hbm>>
    %dma_start3A_16 = tpu.memref_squeeze %dma_start3A_15 : memref<1x1x128xi32, #tpu.memory_space<hbm>> -> memref<128xi32, #tpu.memory_space<hbm>>
    %dma_start3A_17 = arith.constant 0 : i32
    %dma_start3A_18 = tpu.memref_slice %arg4[%arg1, %dma_start3A_13, %dma_start3A_17] : memref<16x80x128xi32, #tpu.memory_space<hbm>> -> memref<1x1x128xi32, #tpu.memory_space<hbm>>
    %dma_start3A_19 = tpu.memref_squeeze %dma_start3A_18 : memref<1x1x128xi32, #tpu.memory_space<hbm>> -> memref<128xi32, #tpu.memory_space<hbm>>
    tpu.enqueue_dma source(%dma_start3A_19 : memref<128xi32, #tpu.memory_space<hbm>>) target(%arg15 : memref<128xi32, #tpu.memory_space<vmem>>) target_semaphore(%arg22 : memref<!tpu.dma_semaphore, #tpu.memory_space<semaphore_mem>>)
    %dma_start3A_20 = arith.constant 1 : i32
    %dma_start3A_21 = arith.constant 0 : i32
    %dma_start3A_22 = tpu.memref_slice %arg3[%arg0, %arg1, %dma_start3A_20, %dma_start3A_21] : memref<2x16x80x128xi32, #tpu.memory_space<hbm>> -> memref<1x1x1x128xi32, #tpu.memory_space<hbm>>
    %dma_start3A_23 = tpu.memref_squeeze %dma_start3A_22 : memref<1x1x1x128xi32, #tpu.memory_space<hbm>> -> memref<128xi32, #tpu.memory_space<hbm>>
    %dma_start3A_24 = arith.constant 0 : i32
    %dma_start3A_25 = tpu.memref_slice %arg3[%arg0, %arg1, %dma_start3A_20, %dma_start3A_24] : memref<2x16x80x128xi32, #tpu.memory_space<hbm>> -> memref<1x1x1x128xi32, #tpu.memory_space<hbm>>
    %dma_start3A_26 = tpu.memref_squeeze %dma_start3A_25 : memref<1x1x1x128xi32, #tpu.memory_space<hbm>> -> memref<128xi32, #tpu.memory_space<hbm>>
    tpu.enqueue_dma source(%dma_start3A_26 : memref<128xi32, #tpu.memory_space<hbm>>) target(%arg12 : memref<128xi32, #tpu.memory_space<vmem>>) target_semaphore(%arg23 : memref<!tpu.dma_semaphore, #tpu.memory_space<semaphore_mem>>)
    %dma_start3A_27 = arith.constant 1 : i32
    %dma_start3A_28 = arith.constant 0 : i32
    %dma_start3A_29 = tpu.memref_slice %arg4[%arg1, %dma_start3A_27, %dma_start3A_28] : memref<16x80x128xi32, #tpu.memory_space<hbm>> -> memref<1x1x128xi32, #tpu.memory_space<hbm>>
    %dma_start3A_30 = tpu.memref_squeeze %dma_start3A_29 : memref<1x1x128xi32, #tpu.memory_space<hbm>> -> memref<128xi32, #tpu.memory_space<hbm>>
    %dma_start3A_31 = arith.constant 0 : i32
    %dma_start3A_32 = tpu.memref_slice %arg4[%arg1, %dma_start3A_27, %dma_start3A_31] : memref<16x80x128xi32, #tpu.memory_space<hbm>> -> memref<1x1x128xi32, #tpu.memory_space<hbm>>
    %dma_start3A_33 = tpu.memref_squeeze %dma_start3A_32 : memref<1x1x128xi32, #tpu.memory_space<hbm>> -> memref<128xi32, #tpu.memory_space<hbm>>
    tpu.enqueue_dma source(%dma_start3A_33 : memref<128xi32, #tpu.memory_space<hbm>>) target(%arg16 : memref<128xi32, #tpu.memory_space<vmem>>) target_semaphore(%arg23 : memref<!tpu.dma_semaphore, #tpu.memory_space<semaphore_mem>>)
    %dma_wait3A = arith.constant 0 : i32
    %dma_wait3A_34 = arith.constant 0 : i32
    %dma_wait3A_35 = tpu.memref_slice %arg3[%arg0, %arg1, %dma_wait3A, %dma_wait3A_34] : memref<2x16x80x128xi32, #tpu.memory_space<hbm>> -> memref<1x1x1x128xi32, #tpu.memory_space<hbm>>
    %dma_wait3A_36 = tpu.memref_squeeze %dma_wait3A_35 : memref<1x1x1x128xi32, #tpu.memory_space<hbm>> -> memref<128xi32, #tpu.memory_space<hbm>>
    %dma_wait3A_37 = arith.constant 0 : i32
    %dma_wait3A_38 = tpu.memref_slice %arg3[%arg0, %arg1, %dma_wait3A, %dma_wait3A_37] : memref<2x16x80x128xi32, #tpu.memory_space<hbm>> -> memref<1x1x1x128xi32, #tpu.memory_space<hbm>>
    %dma_wait3A_39 = tpu.memref_squeeze %dma_wait3A_38 : memref<1x1x1x128xi32, #tpu.memory_space<hbm>> -> memref<128xi32, #tpu.memory_space<hbm>>
    tpu.wait_dma2 semaphore(%arg22 : memref<!tpu.dma_semaphore, #tpu.memory_space<semaphore_mem>>) src(%dma_wait3A_39 : memref<128xi32, #tpu.memory_space<hbm>>) dst(%arg11 : memref<128xi32, #tpu.memory_space<vmem>>)
    %dma_wait3A_40 = arith.constant 0 : i32
    %dma_wait3A_41 = arith.constant 0 : i32
    %dma_wait3A_42 = tpu.memref_slice %arg4[%arg1, %dma_wait3A_40, %dma_wait3A_41] : memref<16x80x128xi32, #tpu.memory_space<hbm>> -> memref<1x1x128xi32, #tpu.memory_space<hbm>>
    %dma_wait3A_43 = tpu.memref_squeeze %dma_wait3A_42 : memref<1x1x128xi32, #tpu.memory_space<hbm>> -> memref<128xi32, #tpu.memory_space<hbm>>
    %dma_wait3A_44 = arith.constant 0 : i32
    %dma_wait3A_45 = tpu.memref_slice %arg4[%arg1, %dma_wait3A_40, %dma_wait3A_44] : memref<16x80x128xi32, #tpu.memory_space<hbm>> -> memref<1x1x128xi32, #tpu.memory_space<hbm>>
    %dma_wait3A_46 = tpu.memref_squeeze %dma_wait3A_45 : memref<1x1x128xi32, #tpu.memory_space<hbm>> -> memref<128xi32, #tpu.memory_space<hbm>>
    tpu.wait_dma2 semaphore(%arg22 : memref<!tpu.dma_semaphore, #tpu.memory_space<semaphore_mem>>) src(%dma_wait3A_46 : memref<128xi32, #tpu.memory_space<hbm>>) dst(%arg15 : memref<128xi32, #tpu.memory_space<vmem>>)
    %dma_start3A_47 = arith.constant 0 : i32
    %dma_start3A_48 = arith.constant 0 : i32
    %dma_start3A_49 = tpu.memref_slice %arg2[%dma_start3A_47, %dma_start3A_48] : memref<20000x128xf32, #tpu.memory_space<hbm>> -> memref<20000x128xf32, #tpu.memory_space<hbm>>
    tpu.enqueue_indirect_dma source(%dma_start3A_49 : memref<20000x128xf32, #tpu.memory_space<hbm>>) target(%arg19 : memref<128x128xf32, #tpu.memory_space<vmem>>) offsets(%arg11 : memref<128xi32, #tpu.memory_space<vmem>>) semaphore(%arg26 : memref<!tpu.dma_semaphore, #tpu.memory_space<semaphore_mem>>)
    %scan3A_50 = arith.constant 0 : i32
    %scan3A_51 = arith.constant 0 : i32
    %scan3A_52 = arith.constant 8 : i32
    %scan3A_53 = arith.addi %scan3A_51, %scan3A_52 : i32
    %scan3A_54 = arith.constant 1 : i32
    %scan3A_55 = scf.for %scan3A_130 = %scan3A_51 to %scan3A_53 step %scan3A_54 iter_args(%scan3A_131 = %scan3A_50) -> (i32)  : i32 {
      %mul3A = arith.constant 16 : i32
      %mul3A_132 = arith.muli %scan3A_130, %mul3A : i32
      %add3A = arith.addi %arg1, %mul3A_132 : i32
      %lt3A = arith.constant 126 : i32
      %lt3A_133 = arith.cmpi slt, %add3A, %lt3A : i32
      %convert_element_type3A = arith.extui %lt3A_133 : i1 to i32
      %cond3A = arith.constant 0 : i32
      %cond3A_134 = arith.cmpi ne, %convert_element_type3A, %cond3A : i32
      scf.if %cond3A_134 {
        %mul3A_136 = arith.constant 80 : i32
        %mul3A_137 = arith.muli %add3A, %mul3A_136 : i32
        "tpu.region"() ({
          %run_scoped3A = tpu.sem_alloc : memref<!tpu.dma_semaphore, #tpu.memory_space<semaphore_mem>>
          %dma_start3A_140 = arith.constant 0 : i32
          %dma_start3A_141 = tpu.memref_slice %arg9[%mul3A_137, %dma_start3A_140] : memref<10080x128xf32, #tpu.memory_space<vmem_shared>> -> memref<80x128xf32, #tpu.memory_space<vmem_shared>>
          tpu.enqueue_dma source(%arg5 : memref<80x128xf32, #tpu.memory_space<hbm>>) target(%dma_start3A_141 : memref<80x128xf32, #tpu.memory_space<vmem_shared>>) target_semaphore(%run_scoped3A : memref<!tpu.dma_semaphore, #tpu.memory_space<semaphore_mem>>)
          %dma_wait3A_142 = arith.constant 0 : i32
          %dma_wait3A_143 = tpu.memref_slice %arg9[%mul3A_137, %dma_wait3A_142] : memref<10080x128xf32, #tpu.memory_space<vmem_shared>> -> memref<80x128xf32, #tpu.memory_space<vmem_shared>>
          tpu.wait_dma2 semaphore(%run_scoped3A : memref<!tpu.dma_semaphore, #tpu.memory_space<semaphore_mem>>) src(%arg5 : memref<80x128xf32, #tpu.memory_space<hbm>>) dst(%dma_wait3A_143 : memref<80x128xf32, #tpu.memory_space<vmem_shared>>)
          tpu.yield
        }) : () -> ()
        %mul3A_138 = arith.constant 80 : i32
        %mul3A_139 = arith.muli %add3A, %mul3A_138 : i32
        "tpu.region"() ({
          %run_scoped3A = tpu.sem_alloc : memref<!tpu.dma_semaphore, #tpu.memory_space<semaphore_mem>>
          %dma_start3A_140 = arith.constant 0 : i32
          %dma_start3A_141 = tpu.memref_slice %arg10[%mul3A_139, %dma_start3A_140] : memref<10080x16xf32, #tpu.memory_space<vmem_shared>> -> memref<80x16xf32, #tpu.memory_space<vmem_shared>>
          tpu.enqueue_dma source(%arg6 : memref<80x16xf32, #tpu.memory_space<hbm>>) target(%dma_start3A_141 : memref<80x16xf32, #tpu.memory_space<vmem_shared>>) target_semaphore(%run_scoped3A : memref<!tpu.dma_semaphore, #tpu.memory_space<semaphore_mem>>)
          %dma_wait3A_142 = arith.constant 0 : i32
          %dma_wait3A_143 = tpu.memref_slice %arg10[%mul3A_139, %dma_wait3A_142] : memref<10080x16xf32, #tpu.memory_space<vmem_shared>> -> memref<80x16xf32, #tpu.memory_space<vmem_shared>>
          tpu.wait_dma2 semaphore(%run_scoped3A : memref<!tpu.dma_semaphore, #tpu.memory_space<semaphore_mem>>) src(%arg6 : memref<80x16xf32, #tpu.memory_space<hbm>>) dst(%dma_wait3A_143 : memref<80x16xf32, #tpu.memory_space<vmem_shared>>)
          tpu.yield
        }) : () -> ()
      } else {
      }
      %scan3A_135 = arith.constant 0 : i32
      scf.yield %scan3A_135 : i32
    }
    %scan3A_56 = arith.constant 8 : i32
    %barrier3A = arith.constant 0 : index
    tpu.barrier barrier_id(%barrier3A)
    %dma_start3A_57 = arith.constant 2 : i32
    %dma_start3A_58 = arith.constant 0 : i32
    %dma_start3A_59 = tpu.memref_slice %arg3[%arg0, %arg1, %dma_start3A_57, %dma_start3A_58] : memref<2x16x80x128xi32, #tpu.memory_space<hbm>> -> memref<1x1x1x128xi32, #tpu.memory_space<hbm>>
    %dma_start3A_60 = tpu.memref_squeeze %dma_start3A_59 : memref<1x1x1x128xi32, #tpu.memory_space<hbm>> -> memref<128xi32, #tpu.memory_space<hbm>>
    %dma_start3A_61 = arith.constant 0 : i32
    %dma_start3A_62 = tpu.memref_slice %arg3[%arg0, %arg1, %dma_start3A_57, %dma_start3A_61] : memref<2x16x80x128xi32, #tpu.memory_space<hbm>> -> memref<1x1x1x128xi32, #tpu.memory_space<hbm>>
    %dma_start3A_63 = tpu.memref_squeeze %dma_start3A_62 : memref<1x1x1x128xi32, #tpu.memory_space<hbm>> -> memref<128xi32, #tpu.memory_space<hbm>>
    tpu.enqueue_dma source(%dma_start3A_63 : memref<128xi32, #tpu.memory_space<hbm>>) target(%arg13 : memref<128xi32, #tpu.memory_space<vmem>>) target_semaphore(%arg24 : memref<!tpu.dma_semaphore, #tpu.memory_space<semaphore_mem>>)
    %dma_start3A_64 = arith.constant 2 : i32
    %dma_start3A_65 = arith.constant 0 : i32
    %dma_start3A_66 = tpu.memref_slice %arg4[%arg1, %dma_start3A_64, %dma_start3A_65] : memref<16x80x128xi32, #tpu.memory_space<hbm>> -> memref<1x1x128xi32, #tpu.memory_space<hbm>>
    %dma_start3A_67 = tpu.memref_squeeze %dma_start3A_66 : memref<1x1x128xi32, #tpu.memory_space<hbm>> -> memref<128xi32, #tpu.memory_space<hbm>>
    %dma_start3A_68 = arith.constant 0 : i32
    %dma_start3A_69 = tpu.memref_slice %arg4[%arg1, %dma_start3A_64, %dma_start3A_68] : memref<16x80x128xi32, #tpu.memory_space<hbm>> -> memref<1x1x128xi32, #tpu.memory_space<hbm>>
    %dma_start3A_70 = tpu.memref_squeeze %dma_start3A_69 : memref<1x1x128xi32, #tpu.memory_space<hbm>> -> memref<128xi32, #tpu.memory_space<hbm>>
    tpu.enqueue_dma source(%dma_start3A_70 : memref<128xi32, #tpu.memory_space<hbm>>) target(%arg17 : memref<128xi32, #tpu.memory_space<vmem>>) target_semaphore(%arg24 : memref<!tpu.dma_semaphore, #tpu.memory_space<semaphore_mem>>)
    %dma_start3A_71 = arith.constant 3 : i32
    %dma_start3A_72 = arith.constant 0 : i32
    %dma_start3A_73 = tpu.memref_slice %arg3[%arg0, %arg1, %dma_start3A_71, %dma_start3A_72] : memref<2x16x80x128xi32, #tpu.memory_space<hbm>> -> memref<1x1x1x128xi32, #tpu.memory_space<hbm>>
    %dma_start3A_74 = tpu.memref_squeeze %dma_start3A_73 : memref<1x1x1x128xi32, #tpu.memory_space<hbm>> -> memref<128xi32, #tpu.memory_space<hbm>>
    %dma_start3A_75 = arith.constant 0 : i32
    %dma_start3A_76 = tpu.memref_slice %arg3[%arg0, %arg1, %dma_start3A_71, %dma_start3A_75] : memref<2x16x80x128xi32, #tpu.memory_space<hbm>> -> memref<1x1x1x128xi32, #tpu.memory_space<hbm>>
    %dma_start3A_77 = tpu.memref_squeeze %dma_start3A_76 : memref<1x1x1x128xi32, #tpu.memory_space<hbm>> -> memref<128xi32, #tpu.memory_space<hbm>>
    tpu.enqueue_dma source(%dma_start3A_77 : memref<128xi32, #tpu.memory_space<hbm>>) target(%arg14 : memref<128xi32, #tpu.memory_space<vmem>>) target_semaphore(%arg25 : memref<!tpu.dma_semaphore, #tpu.memory_space<semaphore_mem>>)
    %dma_start3A_78 = arith.constant 3 : i32
    %dma_start3A_79 = arith.constant 0 : i32
    %dma_start3A_80 = tpu.memref_slice %arg4[%arg1, %dma_start3A_78, %dma_start3A_79] : memref<16x80x128xi32, #tpu.memory_space<hbm>> -> memref<1x1x128xi32, #tpu.memory_space<hbm>>
    %dma_start3A_81 = tpu.memref_squeeze %dma_start3A_80 : memref<1x1x128xi32, #tpu.memory_space<hbm>> -> memref<128xi32, #tpu.memory_space<hbm>>
    %dma_start3A_82 = arith.constant 0 : i32
    %dma_start3A_83 = tpu.memref_slice %arg4[%arg1, %dma_start3A_78, %dma_start3A_82] : memref<16x80x128xi32, #tpu.memory_space<hbm>> -> memref<1x1x128xi32, #tpu.memory_space<hbm>>
    %dma_start3A_84 = tpu.memref_squeeze %dma_start3A_83 : memref<1x1x128xi32, #tpu.memory_space<hbm>> -> memref<128xi32, #tpu.memory_space<hbm>>
    tpu.enqueue_dma source(%dma_start3A_84 : memref<128xi32, #tpu.memory_space<hbm>>) target(%arg18 : memref<128xi32, #tpu.memory_space<vmem>>) target_semaphore(%arg25 : memref<!tpu.dma_semaphore, #tpu.memory_space<semaphore_mem>>)
    %dma_wait3A_85 = arith.constant 1 : i32
    %dma_wait3A_86 = arith.constant 0 : i32
    %dma_wait3A_87 = tpu.memref_slice %arg3[%arg0, %arg1, %dma_wait3A_85, %dma_wait3A_86] : memref<2x16x80x128xi32, #tpu.memory_space<hbm>> -> memref<1x1x1x128xi32, #tpu.memory_space<hbm>>
    %dma_wait3A_88 = tpu.memref_squeeze %dma_wait3A_87 : memref<1x1x1x128xi32, #tpu.memory_space<hbm>> -> memref<128xi32, #tpu.memory_space<hbm>>
    %dma_wait3A_89 = arith.constant 0 : i32
    %dma_wait3A_90 = tpu.memref_slice %arg3[%arg0, %arg1, %dma_wait3A_85, %dma_wait3A_89] : memref<2x16x80x128xi32, #tpu.memory_space<hbm>> -> memref<1x1x1x128xi32, #tpu.memory_space<hbm>>
    %dma_wait3A_91 = tpu.memref_squeeze %dma_wait3A_90 : memref<1x1x1x128xi32, #tpu.memory_space<hbm>> -> memref<128xi32, #tpu.memory_space<hbm>>
    tpu.wait_dma2 semaphore(%arg23 : memref<!tpu.dma_semaphore, #tpu.memory_space<semaphore_mem>>) src(%dma_wait3A_91 : memref<128xi32, #tpu.memory_space<hbm>>) dst(%arg12 : memref<128xi32, #tpu.memory_space<vmem>>)
    %dma_wait3A_92 = arith.constant 1 : i32
    %dma_wait3A_93 = arith.constant 0 : i32
    %dma_wait3A_94 = tpu.memref_slice %arg4[%arg1, %dma_wait3A_92, %dma_wait3A_93] : memref<16x80x128xi32, #tpu.memory_space<hbm>> -> memref<1x1x128xi32, #tpu.memory_space<hbm>>
    %dma_wait3A_95 = tpu.memref_squeeze %dma_wait3A_94 : memref<1x1x128xi32, #tpu.memory_space<hbm>> -> memref<128xi32, #tpu.memory_space<hbm>>
    %dma_wait3A_96 = arith.constant 0 : i32
    %dma_wait3A_97 = tpu.memref_slice %arg4[%arg1, %dma_wait3A_92, %dma_wait3A_96] : memref<16x80x128xi32, #tpu.memory_space<hbm>> -> memref<1x1x128xi32, #tpu.memory_space<hbm>>
    %dma_wait3A_98 = tpu.memref_squeeze %dma_wait3A_97 : memref<1x1x128xi32, #tpu.memory_space<hbm>> -> memref<128xi32, #tpu.memory_space<hbm>>
    tpu.wait_dma2 semaphore(%arg23 : memref<!tpu.dma_semaphore, #tpu.memory_space<semaphore_mem>>) src(%dma_wait3A_98 : memref<128xi32, #tpu.memory_space<hbm>>) dst(%arg16 : memref<128xi32, #tpu.memory_space<vmem>>)
    %dma_start3A_99 = arith.constant 0 : i32
    %dma_start3A_100 = arith.constant 0 : i32
    %dma_start3A_101 = tpu.memref_slice %arg2[%dma_start3A_99, %dma_start3A_100] : memref<20000x128xf32, #tpu.memory_space<hbm>> -> memref<20000x128xf32, #tpu.memory_space<hbm>>
    tpu.enqueue_indirect_dma source(%dma_start3A_101 : memref<20000x128xf32, #tpu.memory_space<hbm>>) target(%arg20 : memref<128x128xf32, #tpu.memory_space<vmem>>) offsets(%arg12 : memref<128xi32, #tpu.memory_space<vmem>>) semaphore(%arg27 : memref<!tpu.dma_semaphore, #tpu.memory_space<semaphore_mem>>)
    %eq3A = arith.constant 0 : i32
    %eq3A_102 = arith.cmpi eq, %arg0, %eq3A : i32
    %jit3A = arith.constant 0 : i32
    %jit3A_103 = arith.constant 40 : i32
    %select_n3A = arith.select %eq3A_102, %jit3A, %jit3A_103 : i32
    %eq3A_104 = arith.constant 0 : i32
    %eq3A_105 = arith.cmpi eq, %arg0, %eq3A_104 : i32
    %jit3A_106 = arith.constant 39 : i32
    %jit3A_107 = arith.constant 79 : i32
    %select_n3A_108 = arith.select %eq3A_105, %jit3A_106, %jit3A_107 : i32
    %scan3A_109 = arith.constant 0 : i32
    %scan3A_110 = arith.constant 0 : i32
    %scan3A_111 = arith.constant 20 : i32
    %scan3A_112 = arith.addi %scan3A_110, %scan3A_111 : i32
    %scan3A_113 = arith.constant 1 : i32
    %scan3A_114 = scf.for %scan3A_130 = %scan3A_110 to %scan3A_112 step %scan3A_113 iter_args(%scan3A_131 = %scan3A_109) -> (i32)  : i32 {
      %mul3A = arith.constant 4 : i32
      %mul3A_132 = arith.muli %scan3A_130, %mul3A : i32
      %add3A = arith.constant 0 : i32
      %add3A_133 = arith.addi %mul3A_132, %add3A : i32
      %dma_wait3A_134 = arith.constant 0 : i32
      %dma_wait3A_135 = arith.constant 0 : i32
      %dma_wait3A_136 = tpu.memref_slice %arg2[%dma_wait3A_134, %dma_wait3A_135] : memref<20000x128xf32, #tpu.memory_space<hbm>> -> memref<20000x128xf32, #tpu.memory_space<hbm>>
      tpu.wait_indirect_dma semaphore(%arg26 : memref<!tpu.dma_semaphore, #tpu.memory_space<semaphore_mem>>) src(%dma_wait3A_136 : memref<20000x128xf32, #tpu.memory_space<hbm>>) dst(%arg19 : memref<128x128xf32, #tpu.memory_space<vmem>>)
      %dma_start3A_137 = arith.constant 0 : i32
      %dma_start3A_138 = arith.constant 0 : i32
      %dma_start3A_139 = tpu.memref_slice %arg9[%dma_start3A_137, %dma_start3A_138] : memref<10080x128xf32, #tpu.memory_space<vmem_shared>> -> memref<10080x128xf32, #tpu.memory_space<vmem_shared>>
      tpu.enqueue_indirect_dma source(%arg19 : memref<128x128xf32, #tpu.memory_space<vmem>>) target(%dma_start3A_139 : memref<10080x128xf32, #tpu.memory_space<vmem_shared>>) offsets(%arg15 : memref<128xi32, #tpu.memory_space<vmem>>) semaphore(%arg28 : memref<!tpu.dma_semaphore, #tpu.memory_space<semaphore_mem>>) {add = true}
      %eq3A_140 = arith.constant 0 : i32
      %eq3A_141 = arith.cmpi eq, %arg0, %eq3A_140 : i32
      %lt3A = arith.constant 40 : i32
      %lt3A_142 = arith.cmpi slt, %add3A_133, %lt3A : i32
      %ge3A = arith.constant 40 : i32
      %ge3A_143 = arith.cmpi sge, %add3A_133, %ge3A : i32
      %select_n3A_144 = arith.select %eq3A_141, %lt3A_142, %ge3A_143 : i1
      %ne3A = arith.cmpi ne, %add3A_133, %select_n3A : i32
      %and3A = arith.andi %select_n3A_144, %ne3A : i1
      %convert_element_type3A = arith.extui %and3A : i1 to i32
      %cond3A = arith.constant 0 : i32
      %cond3A_145 = arith.cmpi ne, %convert_element_type3A, %cond3A : i32
      scf.if %cond3A_145 {
        %dma_wait3A_273 = arith.constant 0 : i32
        %dma_wait3A_274 = arith.constant 0 : i32
        %dma_wait3A_275 = tpu.memref_slice %arg10[%dma_wait3A_273, %dma_wait3A_274] : memref<10080x16xf32, #tpu.memory_space<vmem_shared>> -> memref<10080x16xf32, #tpu.memory_space<vmem_shared>>
        tpu.wait_indirect_dma semaphore(%arg30 : memref<!tpu.dma_semaphore, #tpu.memory_space<semaphore_mem>>) src(%arg21 : memref<128x16xf32, #tpu.memory_space<vmem>>) dst(%dma_wait3A_275 : memref<10080x16xf32, #tpu.memory_space<vmem_shared>>)
      } else {
      }
      %convert_element_type3A_146 = arith.extui %select_n3A_144 : i1 to i32
      %cond3A_147 = arith.constant 0 : i32
      %cond3A_148 = arith.cmpi ne, %convert_element_type3A_146, %cond3A_147 : i32
      scf.if %cond3A_148 {
        %dma_start3A_273 = arith.constant 0 : i32
        %dma_start3A_274 = arith.constant 0 : i32
        %dma_start3A_275 = tpu.memref_slice %arg10[%dma_start3A_273, %dma_start3A_274] : memref<10080x16xf32, #tpu.memory_space<vmem_shared>> -> memref<10080x16xf32, #tpu.memory_space<vmem_shared>>
        tpu.enqueue_indirect_dma source(%arg21 : memref<128x16xf32, #tpu.memory_space<vmem>>) target(%dma_start3A_275 : memref<10080x16xf32, #tpu.memory_space<vmem_shared>>) offsets(%arg15 : memref<128xi32, #tpu.memory_space<vmem>>) semaphore(%arg30 : memref<!tpu.dma_semaphore, #tpu.memory_space<semaphore_mem>>) {add = true}
      } else {
      }
      %eq3A_149 = arith.cmpi eq, %add3A_133, %select_n3A_108 : i32
      %and3A_150 = arith.andi %select_n3A_144, %eq3A_149 : i1
      %convert_element_type3A_151 = arith.extui %and3A_150 : i1 to i32
      %cond3A_152 = arith.constant 0 : i32
      %cond3A_153 = arith.cmpi ne, %convert_element_type3A_151, %cond3A_152 : i32
      scf.if %cond3A_153 {
        %dma_wait3A_273 = arith.constant 0 : i32
        %dma_wait3A_274 = arith.constant 0 : i32
        %dma_wait3A_275 = tpu.memref_slice %arg10[%dma_wait3A_273, %dma_wait3A_274] : memref<10080x16xf32, #tpu.memory_space<vmem_shared>> -> memref<10080x16xf32, #tpu.memory_space<vmem_shared>>
        tpu.wait_indirect_dma semaphore(%arg30 : memref<!tpu.dma_semaphore, #tpu.memory_space<semaphore_mem>>) src(%arg21 : memref<128x16xf32, #tpu.memory_space<vmem>>) dst(%dma_wait3A_275 : memref<10080x16xf32, #tpu.memory_space<vmem_shared>>)
      } else {
      }
      %add3A_154 = arith.constant 2 : i32
      %add3A_155 = arith.addi %add3A_133, %add3A_154 : i32
      %lt3A_156 = arith.constant 80 : i32
      %lt3A_157 = arith.cmpi slt, %add3A_155, %lt3A_156 : i32
      %convert_element_type3A_158 = arith.extui %lt3A_157 : i1 to i32
      %cond3A_159 = arith.constant 0 : i32
      %cond3A_160 = arith.cmpi ne, %convert_element_type3A_158, %cond3A_159 : i32
      scf.if %cond3A_160 {
        %dma_wait3A_273 = arith.constant 0 : i32
        %dma_wait3A_274 = arith.constant 0 : i32
        %dma_wait3A_275 = tpu.memref_slice %arg9[%dma_wait3A_273, %dma_wait3A_274] : memref<10080x128xf32, #tpu.memory_space<vmem_shared>> -> memref<10080x128xf32, #tpu.memory_space<vmem_shared>>
        tpu.wait_indirect_dma semaphore(%arg28 : memref<!tpu.dma_semaphore, #tpu.memory_space<semaphore_mem>>) src(%arg19 : memref<128x128xf32, #tpu.memory_space<vmem>>) dst(%dma_wait3A_275 : memref<10080x128xf32, #tpu.memory_space<vmem_shared>>)
        %add3A_276 = arith.constant 4 : i32
        %add3A_277 = arith.addi %add3A_133, %add3A_276 : i32
        %lt3A_278 = arith.constant 80 : i32
        %lt3A_279 = arith.cmpi slt, %add3A_277, %lt3A_278 : i32
        %convert_element_type3A_280 = arith.extui %lt3A_279 : i1 to i32
        %cond3A_281 = arith.constant 0 : i32
        %cond3A_282 = arith.cmpi ne, %convert_element_type3A_280, %cond3A_281 : i32
        scf.if %cond3A_282 {
          %add3A_300 = arith.constant 4 : i32
          %add3A_301 = arith.addi %add3A_133, %add3A_300 : i32
          %dma_start3A_302 = arith.constant 0 : i32
          %dma_start3A_303 = tpu.memref_slice %arg3[%arg0, %arg1, %add3A_301, %dma_start3A_302] : memref<2x16x80x128xi32, #tpu.memory_space<hbm>> -> memref<1x1x1x128xi32, #tpu.memory_space<hbm>>
          %dma_start3A_304 = tpu.memref_squeeze %dma_start3A_303 : memref<1x1x1x128xi32, #tpu.memory_space<hbm>> -> memref<128xi32, #tpu.memory_space<hbm>>
          %dma_start3A_305 = arith.constant 0 : i32
          %dma_start3A_306 = tpu.memref_slice %arg3[%arg0, %arg1, %add3A_301, %dma_start3A_305] : memref<2x16x80x128xi32, #tpu.memory_space<hbm>> -> memref<1x1x1x128xi32, #tpu.memory_space<hbm>>
          %dma_start3A_307 = tpu.memref_squeeze %dma_start3A_306 : memref<1x1x1x128xi32, #tpu.memory_space<hbm>> -> memref<128xi32, #tpu.memory_space<hbm>>
          tpu.enqueue_dma source(%dma_start3A_307 : memref<128xi32, #tpu.memory_space<hbm>>) target(%arg11 : memref<128xi32, #tpu.memory_space<vmem>>) target_semaphore(%arg22 : memref<!tpu.dma_semaphore, #tpu.memory_space<semaphore_mem>>)
          %dma_start3A_308 = arith.constant 0 : i32
          %dma_start3A_309 = tpu.memref_slice %arg4[%arg1, %add3A_301, %dma_start3A_308] : memref<16x80x128xi32, #tpu.memory_space<hbm>> -> memref<1x1x128xi32, #tpu.memory_space<hbm>>
          %dma_start3A_310 = tpu.memref_squeeze %dma_start3A_309 : memref<1x1x128xi32, #tpu.memory_space<hbm>> -> memref<128xi32, #tpu.memory_space<hbm>>
          %dma_start3A_311 = arith.constant 0 : i32
          %dma_start3A_312 = tpu.memref_slice %arg4[%arg1, %add3A_301, %dma_start3A_311] : memref<16x80x128xi32, #tpu.memory_space<hbm>> -> memref<1x1x128xi32, #tpu.memory_space<hbm>>
          %dma_start3A_313 = tpu.memref_squeeze %dma_start3A_312 : memref<1x1x128xi32, #tpu.memory_space<hbm>> -> memref<128xi32, #tpu.memory_space<hbm>>
          tpu.enqueue_dma source(%dma_start3A_313 : memref<128xi32, #tpu.memory_space<hbm>>) target(%arg15 : memref<128xi32, #tpu.memory_space<vmem>>) target_semaphore(%arg22 : memref<!tpu.dma_semaphore, #tpu.memory_space<semaphore_mem>>)
        } else {
        }
        %add3A_283 = arith.constant 2 : i32
        %add3A_284 = arith.addi %add3A_133, %add3A_283 : i32
        %dma_wait3A_285 = arith.constant 0 : i32
        %dma_wait3A_286 = tpu.memref_slice %arg3[%arg0, %arg1, %add3A_284, %dma_wait3A_285] : memref<2x16x80x128xi32, #tpu.memory_space<hbm>> -> memref<1x1x1x128xi32, #tpu.memory_space<hbm>>
        %dma_wait3A_287 = tpu.memref_squeeze %dma_wait3A_286 : memref<1x1x1x128xi32, #tpu.memory_space<hbm>> -> memref<128xi32, #tpu.memory_space<hbm>>
        %dma_wait3A_288 = arith.constant 0 : i32
        %dma_wait3A_289 = tpu.memref_slice %arg3[%arg0, %arg1, %add3A_284, %dma_wait3A_288] : memref<2x16x80x128xi32, #tpu.memory_space<hbm>> -> memref<1x1x1x128xi32, #tpu.memory_space<hbm>>
        %dma_wait3A_290 = tpu.memref_squeeze %dma_wait3A_289 : memref<1x1x1x128xi32, #tpu.memory_space<hbm>> -> memref<128xi32, #tpu.memory_space<hbm>>
        tpu.wait_dma2 semaphore(%arg24 : memref<!tpu.dma_semaphore, #tpu.memory_space<semaphore_mem>>) src(%dma_wait3A_290 : memref<128xi32, #tpu.memory_space<hbm>>) dst(%arg13 : memref<128xi32, #tpu.memory_space<vmem>>)
        %dma_wait3A_291 = arith.constant 0 : i32
        %dma_wait3A_292 = tpu.memref_slice %arg4[%arg1, %add3A_284, %dma_wait3A_291] : memref<16x80x128xi32, #tpu.memory_space<hbm>> -> memref<1x1x128xi32, #tpu.memory_space<hbm>>
        %dma_wait3A_293 = tpu.memref_squeeze %dma_wait3A_292 : memref<1x1x128xi32, #tpu.memory_space<hbm>> -> memref<128xi32, #tpu.memory_space<hbm>>
        %dma_wait3A_294 = arith.constant 0 : i32
        %dma_wait3A_295 = tpu.memref_slice %arg4[%arg1, %add3A_284, %dma_wait3A_294] : memref<16x80x128xi32, #tpu.memory_space<hbm>> -> memref<1x1x128xi32, #tpu.memory_space<hbm>>
        %dma_wait3A_296 = tpu.memref_squeeze %dma_wait3A_295 : memref<1x1x128xi32, #tpu.memory_space<hbm>> -> memref<128xi32, #tpu.memory_space<hbm>>
        tpu.wait_dma2 semaphore(%arg24 : memref<!tpu.dma_semaphore, #tpu.memory_space<semaphore_mem>>) src(%dma_wait3A_296 : memref<128xi32, #tpu.memory_space<hbm>>) dst(%arg17 : memref<128xi32, #tpu.memory_space<vmem>>)
        %dma_start3A_297 = arith.constant 0 : i32
        %dma_start3A_298 = arith.constant 0 : i32
        %dma_start3A_299 = tpu.memref_slice %arg2[%dma_start3A_297, %dma_start3A_298] : memref<20000x128xf32, #tpu.memory_space<hbm>> -> memref<20000x128xf32, #tpu.memory_space<hbm>>
        tpu.enqueue_indirect_dma source(%dma_start3A_299 : memref<20000x128xf32, #tpu.memory_space<hbm>>) target(%arg19 : memref<128x128xf32, #tpu.memory_space<vmem>>) offsets(%arg13 : memref<128xi32, #tpu.memory_space<vmem>>) semaphore(%arg26 : memref<!tpu.dma_semaphore, #tpu.memory_space<semaphore_mem>>)
      } else {
      }
      %mul3A_161 = arith.constant 4 : i32
      %mul3A_162 = arith.muli %scan3A_130, %mul3A_161 : i32
      %add3A_163 = arith.constant 1 : i32
      %add3A_164 = arith.addi %mul3A_162, %add3A_163 : i32
      %dma_wait3A_165 = arith.constant 0 : i32
      %dma_wait3A_166 = arith.constant 0 : i32
      %dma_wait3A_167 = tpu.memref_slice %arg2[%dma_wait3A_165, %dma_wait3A_166] : memref<20000x128xf32, #tpu.memory_space<hbm>> -> memref<20000x128xf32, #tpu.memory_space<hbm>>
      tpu.wait_indirect_dma semaphore(%arg27 : memref<!tpu.dma_semaphore, #tpu.memory_space<semaphore_mem>>) src(%dma_wait3A_167 : memref<20000x128xf32, #tpu.memory_space<hbm>>) dst(%arg20 : memref<128x128xf32, #tpu.memory_space<vmem>>)
      %dma_start3A_168 = arith.constant 0 : i32
      %dma_start3A_169 = arith.constant 0 : i32
      %dma_start3A_170 = tpu.memref_slice %arg9[%dma_start3A_168, %dma_start3A_169] : memref<10080x128xf32, #tpu.memory_space<vmem_shared>> -> memref<10080x128xf32, #tpu.memory_space<vmem_shared>>
      tpu.enqueue_indirect_dma source(%arg20 : memref<128x128xf32, #tpu.memory_space<vmem>>) target(%dma_start3A_170 : memref<10080x128xf32, #tpu.memory_space<vmem_shared>>) offsets(%arg16 : memref<128xi32, #tpu.memory_space<vmem>>) semaphore(%arg29 : memref<!tpu.dma_semaphore, #tpu.memory_space<semaphore_mem>>) {add = true}
      %eq3A_171 = arith.constant 0 : i32
      %eq3A_172 = arith.cmpi eq, %arg0, %eq3A_171 : i32
      %lt3A_173 = arith.constant 40 : i32
      %lt3A_174 = arith.cmpi slt, %add3A_164, %lt3A_173 : i32
      %ge3A_175 = arith.constant 40 : i32
      %ge3A_176 = arith.cmpi sge, %add3A_164, %ge3A_175 : i32
      %select_n3A_177 = arith.select %eq3A_172, %lt3A_174, %ge3A_176 : i1
      %ne3A_178 = arith.cmpi ne, %add3A_164, %select_n3A : i32
      %and3A_179 = arith.andi %select_n3A_177, %ne3A_178 : i1
      %convert_element_type3A_180 = arith.extui %and3A_179 : i1 to i32
      %cond3A_181 = arith.constant 0 : i32
      %cond3A_182 = arith.cmpi ne, %convert_element_type3A_180, %cond3A_181 : i32
      scf.if %cond3A_182 {
        %dma_wait3A_273 = arith.constant 0 : i32
        %dma_wait3A_274 = arith.constant 0 : i32
        %dma_wait3A_275 = tpu.memref_slice %arg10[%dma_wait3A_273, %dma_wait3A_274] : memref<10080x16xf32, #tpu.memory_space<vmem_shared>> -> memref<10080x16xf32, #tpu.memory_space<vmem_shared>>
        tpu.wait_indirect_dma semaphore(%arg30 : memref<!tpu.dma_semaphore, #tpu.memory_space<semaphore_mem>>) src(%arg21 : memref<128x16xf32, #tpu.memory_space<vmem>>) dst(%dma_wait3A_275 : memref<10080x16xf32, #tpu.memory_space<vmem_shared>>)
      } else {
      }
      %convert_element_type3A_183 = arith.extui %select_n3A_177 : i1 to i32
      %cond3A_184 = arith.constant 0 : i32
      %cond3A_185 = arith.cmpi ne, %convert_element_type3A_183, %cond3A_184 : i32
      scf.if %cond3A_185 {
        %dma_start3A_273 = arith.constant 0 : i32
        %dma_start3A_274 = arith.constant 0 : i32
        %dma_start3A_275 = tpu.memref_slice %arg10[%dma_start3A_273, %dma_start3A_274] : memref<10080x16xf32, #tpu.memory_space<vmem_shared>> -> memref<10080x16xf32, #tpu.memory_space<vmem_shared>>
        tpu.enqueue_indirect_dma source(%arg21 : memref<128x16xf32, #tpu.memory_space<vmem>>) target(%dma_start3A_275 : memref<10080x16xf32, #tpu.memory_space<vmem_shared>>) offsets(%arg16 : memref<128xi32, #tpu.memory_space<vmem>>) semaphore(%arg30 : memref<!tpu.dma_semaphore, #tpu.memory_space<semaphore_mem>>) {add = true}
      } else {
      }
      %eq3A_186 = arith.cmpi eq, %add3A_164, %select_n3A_108 : i32
      %and3A_187 = arith.andi %select_n3A_177, %eq3A_186 : i1
      %convert_element_type3A_188 = arith.extui %and3A_187 : i1 to i32
      %cond3A_189 = arith.constant 0 : i32
      %cond3A_190 = arith.cmpi ne, %convert_element_type3A_188, %cond3A_189 : i32
      scf.if %cond3A_190 {
        %dma_wait3A_273 = arith.constant 0 : i32
        %dma_wait3A_274 = arith.constant 0 : i32
        %dma_wait3A_275 = tpu.memref_slice %arg10[%dma_wait3A_273, %dma_wait3A_274] : memref<10080x16xf32, #tpu.memory_space<vmem_shared>> -> memref<10080x16xf32, #tpu.memory_space<vmem_shared>>
        tpu.wait_indirect_dma semaphore(%arg30 : memref<!tpu.dma_semaphore, #tpu.memory_space<semaphore_mem>>) src(%arg21 : memref<128x16xf32, #tpu.memory_space<vmem>>) dst(%dma_wait3A_275 : memref<10080x16xf32, #tpu.memory_space<vmem_shared>>)
      } else {
      }
      %add3A_191 = arith.constant 2 : i32
      %add3A_192 = arith.addi %add3A_164, %add3A_191 : i32
      %lt3A_193 = arith.constant 80 : i32
      %lt3A_194 = arith.cmpi slt, %add3A_192, %lt3A_193 : i32
      %convert_element_type3A_195 = arith.extui %lt3A_194 : i1 to i32
      %cond3A_196 = arith.constant 0 : i32
      %cond3A_197 = arith.cmpi ne, %convert_element_type3A_195, %cond3A_196 : i32
      scf.if %cond3A_197 {
        %dma_wait3A_273 = arith.constant 0 : i32
        %dma_wait3A_274 = arith.constant 0 : i32
        %dma_wait3A_275 = tpu.memref_slice %arg9[%dma_wait3A_273, %dma_wait3A_274] : memref<10080x128xf32, #tpu.memory_space<vmem_shared>> -> memref<10080x128xf32, #tpu.memory_space<vmem_shared>>
        tpu.wait_indirect_dma semaphore(%arg29 : memref<!tpu.dma_semaphore, #tpu.memory_space<semaphore_mem>>) src(%arg20 : memref<128x128xf32, #tpu.memory_space<vmem>>) dst(%dma_wait3A_275 : memref<10080x128xf32, #tpu.memory_space<vmem_shared>>)
        %add3A_276 = arith.constant 4 : i32
        %add3A_277 = arith.addi %add3A_164, %add3A_276 : i32
        %lt3A_278 = arith.constant 80 : i32
        %lt3A_279 = arith.cmpi slt, %add3A_277, %lt3A_278 : i32
        %convert_element_type3A_280 = arith.extui %lt3A_279 : i1 to i32
        %cond3A_281 = arith.constant 0 : i32
        %cond3A_282 = arith.cmpi ne, %convert_element_type3A_280, %cond3A_281 : i32
        scf.if %cond3A_282 {
          %add3A_300 = arith.constant 4 : i32
          %add3A_301 = arith.addi %add3A_164, %add3A_300 : i32
          %dma_start3A_302 = arith.constant 0 : i32
          %dma_start3A_303 = tpu.memref_slice %arg3[%arg0, %arg1, %add3A_301, %dma_start3A_302] : memref<2x16x80x128xi32, #tpu.memory_space<hbm>> -> memref<1x1x1x128xi32, #tpu.memory_space<hbm>>
          %dma_start3A_304 = tpu.memref_squeeze %dma_start3A_303 : memref<1x1x1x128xi32, #tpu.memory_space<hbm>> -> memref<128xi32, #tpu.memory_space<hbm>>
          %dma_start3A_305 = arith.constant 0 : i32
          %dma_start3A_306 = tpu.memref_slice %arg3[%arg0, %arg1, %add3A_301, %dma_start3A_305] : memref<2x16x80x128xi32, #tpu.memory_space<hbm>> -> memref<1x1x1x128xi32, #tpu.memory_space<hbm>>
          %dma_start3A_307 = tpu.memref_squeeze %dma_start3A_306 : memref<1x1x1x128xi32, #tpu.memory_space<hbm>> -> memref<128xi32, #tpu.memory_space<hbm>>
          tpu.enqueue_dma source(%dma_start3A_307 : memref<128xi32, #tpu.memory_space<hbm>>) target(%arg12 : memref<128xi32, #tpu.memory_space<vmem>>) target_semaphore(%arg23 : memref<!tpu.dma_semaphore, #tpu.memory_space<semaphore_mem>>)
          %dma_start3A_308 = arith.constant 0 : i32
          %dma_start3A_309 = tpu.memref_slice %arg4[%arg1, %add3A_301, %dma_start3A_308] : memref<16x80x128xi32, #tpu.memory_space<hbm>> -> memref<1x1x128xi32, #tpu.memory_space<hbm>>
          %dma_start3A_310 = tpu.memref_squeeze %dma_start3A_309 : memref<1x1x128xi32, #tpu.memory_space<hbm>> -> memref<128xi32, #tpu.memory_space<hbm>>
          %dma_start3A_311 = arith.constant 0 : i32
          %dma_start3A_312 = tpu.memref_slice %arg4[%arg1, %add3A_301, %dma_start3A_311] : memref<16x80x128xi32, #tpu.memory_space<hbm>> -> memref<1x1x128xi32, #tpu.memory_space<hbm>>
          %dma_start3A_313 = tpu.memref_squeeze %dma_start3A_312 : memref<1x1x128xi32, #tpu.memory_space<hbm>> -> memref<128xi32, #tpu.memory_space<hbm>>
          tpu.enqueue_dma source(%dma_start3A_313 : memref<128xi32, #tpu.memory_space<hbm>>) target(%arg16 : memref<128xi32, #tpu.memory_space<vmem>>) target_semaphore(%arg23 : memref<!tpu.dma_semaphore, #tpu.memory_space<semaphore_mem>>)
        } else {
        }
        %add3A_283 = arith.constant 2 : i32
        %add3A_284 = arith.addi %add3A_164, %add3A_283 : i32
        %dma_wait3A_285 = arith.constant 0 : i32
        %dma_wait3A_286 = tpu.memref_slice %arg3[%arg0, %arg1, %add3A_284, %dma_wait3A_285] : memref<2x16x80x128xi32, #tpu.memory_space<hbm>> -> memref<1x1x1x128xi32, #tpu.memory_space<hbm>>
        %dma_wait3A_287 = tpu.memref_squeeze %dma_wait3A_286 : memref<1x1x1x128xi32, #tpu.memory_space<hbm>> -> memref<128xi32, #tpu.memory_space<hbm>>
        %dma_wait3A_288 = arith.constant 0 : i32
        %dma_wait3A_289 = tpu.memref_slice %arg3[%arg0, %arg1, %add3A_284, %dma_wait3A_288] : memref<2x16x80x128xi32, #tpu.memory_space<hbm>> -> memref<1x1x1x128xi32, #tpu.memory_space<hbm>>
        %dma_wait3A_290 = tpu.memref_squeeze %dma_wait3A_289 : memref<1x1x1x128xi32, #tpu.memory_space<hbm>> -> memref<128xi32, #tpu.memory_space<hbm>>
        tpu.wait_dma2 semaphore(%arg25 : memref<!tpu.dma_semaphore, #tpu.memory_space<semaphore_mem>>) src(%dma_wait3A_290 : memref<128xi32, #tpu.memory_space<hbm>>) dst(%arg14 : memref<128xi32, #tpu.memory_space<vmem>>)
        %dma_wait3A_291 = arith.constant 0 : i32
        %dma_wait3A_292 = tpu.memref_slice %arg4[%arg1, %add3A_284, %dma_wait3A_291] : memref<16x80x128xi32, #tpu.memory_space<hbm>> -> memref<1x1x128xi32, #tpu.memory_space<hbm>>
        %dma_wait3A_293 = tpu.memref_squeeze %dma_wait3A_292 : memref<1x1x128xi32, #tpu.memory_space<hbm>> -> memref<128xi32, #tpu.memory_space<hbm>>
        %dma_wait3A_294 = arith.constant 0 : i32
        %dma_wait3A_295 = tpu.memref_slice %arg4[%arg1, %add3A_284, %dma_wait3A_294] : memref<16x80x128xi32, #tpu.memory_space<hbm>> -> memref<1x1x128xi32, #tpu.memory_space<hbm>>
        %dma_wait3A_296 = tpu.memref_squeeze %dma_wait3A_295 : memref<1x1x128xi32, #tpu.memory_space<hbm>> -> memref<128xi32, #tpu.memory_space<hbm>>
        tpu.wait_dma2 semaphore(%arg25 : memref<!tpu.dma_semaphore, #tpu.memory_space<semaphore_mem>>) src(%dma_wait3A_296 : memref<128xi32, #tpu.memory_space<hbm>>) dst(%arg18 : memref<128xi32, #tpu.memory_space<vmem>>)
        %dma_start3A_297 = arith.constant 0 : i32
        %dma_start3A_298 = arith.constant 0 : i32
        %dma_start3A_299 = tpu.memref_slice %arg2[%dma_start3A_297, %dma_start3A_298] : memref<20000x128xf32, #tpu.memory_space<hbm>> -> memref<20000x128xf32, #tpu.memory_space<hbm>>
        tpu.enqueue_indirect_dma source(%dma_start3A_299 : memref<20000x128xf32, #tpu.memory_space<hbm>>) target(%arg20 : memref<128x128xf32, #tpu.memory_space<vmem>>) offsets(%arg14 : memref<128xi32, #tpu.memory_space<vmem>>) semaphore(%arg27 : memref<!tpu.dma_semaphore, #tpu.memory_space<semaphore_mem>>)
      } else {
      }
      %mul3A_198 = arith.constant 4 : i32
      %mul3A_199 = arith.muli %scan3A_130, %mul3A_198 : i32
      %add3A_200 = arith.constant 2 : i32
      %add3A_201 = arith.addi %mul3A_199, %add3A_200 : i32
      %dma_wait3A_202 = arith.constant 0 : i32
      %dma_wait3A_203 = arith.constant 0 : i32
      %dma_wait3A_204 = tpu.memref_slice %arg2[%dma_wait3A_202, %dma_wait3A_203] : memref<20000x128xf32, #tpu.memory_space<hbm>> -> memref<20000x128xf32, #tpu.memory_space<hbm>>
      tpu.wait_indirect_dma semaphore(%arg26 : memref<!tpu.dma_semaphore, #tpu.memory_space<semaphore_mem>>) src(%dma_wait3A_204 : memref<20000x128xf32, #tpu.memory_space<hbm>>) dst(%arg19 : memref<128x128xf32, #tpu.memory_space<vmem>>)
      %dma_start3A_205 = arith.constant 0 : i32
      %dma_start3A_206 = arith.constant 0 : i32
      %dma_start3A_207 = tpu.memref_slice %arg9[%dma_start3A_205, %dma_start3A_206] : memref<10080x128xf32, #tpu.memory_space<vmem_shared>> -> memref<10080x128xf32, #tpu.memory_space<vmem_shared>>
      tpu.enqueue_indirect_dma source(%arg19 : memref<128x128xf32, #tpu.memory_space<vmem>>) target(%dma_start3A_207 : memref<10080x128xf32, #tpu.memory_space<vmem_shared>>) offsets(%arg17 : memref<128xi32, #tpu.memory_space<vmem>>) semaphore(%arg28 : memref<!tpu.dma_semaphore, #tpu.memory_space<semaphore_mem>>) {add = true}
      %eq3A_208 = arith.constant 0 : i32
      %eq3A_209 = arith.cmpi eq, %arg0, %eq3A_208 : i32
      %lt3A_210 = arith.constant 40 : i32
      %lt3A_211 = arith.cmpi slt, %add3A_201, %lt3A_210 : i32
      %ge3A_212 = arith.constant 40 : i32
      %ge3A_213 = arith.cmpi sge, %add3A_201, %ge3A_212 : i32
      %select_n3A_214 = arith.select %eq3A_209, %lt3A_211, %ge3A_213 : i1
      %ne3A_215 = arith.cmpi ne, %add3A_201, %select_n3A : i32
      %and3A_216 = arith.andi %select_n3A_214, %ne3A_215 : i1
      %convert_element_type3A_217 = arith.extui %and3A_216 : i1 to i32
      %cond3A_218 = arith.constant 0 : i32
      %cond3A_219 = arith.cmpi ne, %convert_element_type3A_217, %cond3A_218 : i32
      scf.if %cond3A_219 {
        %dma_wait3A_273 = arith.constant 0 : i32
        %dma_wait3A_274 = arith.constant 0 : i32
        %dma_wait3A_275 = tpu.memref_slice %arg10[%dma_wait3A_273, %dma_wait3A_274] : memref<10080x16xf32, #tpu.memory_space<vmem_shared>> -> memref<10080x16xf32, #tpu.memory_space<vmem_shared>>
        tpu.wait_indirect_dma semaphore(%arg30 : memref<!tpu.dma_semaphore, #tpu.memory_space<semaphore_mem>>) src(%arg21 : memref<128x16xf32, #tpu.memory_space<vmem>>) dst(%dma_wait3A_275 : memref<10080x16xf32, #tpu.memory_space<vmem_shared>>)
      } else {
      }
      %convert_element_type3A_220 = arith.extui %select_n3A_214 : i1 to i32
      %cond3A_221 = arith.constant 0 : i32
      %cond3A_222 = arith.cmpi ne, %convert_element_type3A_220, %cond3A_221 : i32
      scf.if %cond3A_222 {
        %dma_start3A_273 = arith.constant 0 : i32
        %dma_start3A_274 = arith.constant 0 : i32
        %dma_start3A_275 = tpu.memref_slice %arg10[%dma_start3A_273, %dma_start3A_274] : memref<10080x16xf32, #tpu.memory_space<vmem_shared>> -> memref<10080x16xf32, #tpu.memory_space<vmem_shared>>
        tpu.enqueue_indirect_dma source(%arg21 : memref<128x16xf32, #tpu.memory_space<vmem>>) target(%dma_start3A_275 : memref<10080x16xf32, #tpu.memory_space<vmem_shared>>) offsets(%arg17 : memref<128xi32, #tpu.memory_space<vmem>>) semaphore(%arg30 : memref<!tpu.dma_semaphore, #tpu.memory_space<semaphore_mem>>) {add = true}
      } else {
      }
      %eq3A_223 = arith.cmpi eq, %add3A_201, %select_n3A_108 : i32
      %and3A_224 = arith.andi %select_n3A_214, %eq3A_223 : i1
      %convert_element_type3A_225 = arith.extui %and3A_224 : i1 to i32
      %cond3A_226 = arith.constant 0 : i32
      %cond3A_227 = arith.cmpi ne, %convert_element_type3A_225, %cond3A_226 : i32
      scf.if %cond3A_227 {
        %dma_wait3A_273 = arith.constant 0 : i32
        %dma_wait3A_274 = arith.constant 0 : i32
        %dma_wait3A_275 = tpu.memref_slice %arg10[%dma_wait3A_273, %dma_wait3A_274] : memref<10080x16xf32, #tpu.memory_space<vmem_shared>> -> memref<10080x16xf32, #tpu.memory_space<vmem_shared>>
        tpu.wait_indirect_dma semaphore(%arg30 : memref<!tpu.dma_semaphore, #tpu.memory_space<semaphore_mem>>) src(%arg21 : memref<128x16xf32, #tpu.memory_space<vmem>>) dst(%dma_wait3A_275 : memref<10080x16xf32, #tpu.memory_space<vmem_shared>>)
      } else {
      }
      %add3A_228 = arith.constant 2 : i32
      %add3A_229 = arith.addi %add3A_201, %add3A_228 : i32
      %lt3A_230 = arith.constant 80 : i32
      %lt3A_231 = arith.cmpi slt, %add3A_229, %lt3A_230 : i32
      %convert_element_type3A_232 = arith.extui %lt3A_231 : i1 to i32
      %cond3A_233 = arith.constant 0 : i32
      %cond3A_234 = arith.cmpi ne, %convert_element_type3A_232, %cond3A_233 : i32
      scf.if %cond3A_234 {
        %dma_wait3A_273 = arith.constant 0 : i32
        %dma_wait3A_274 = arith.constant 0 : i32
        %dma_wait3A_275 = tpu.memref_slice %arg9[%dma_wait3A_273, %dma_wait3A_274] : memref<10080x128xf32, #tpu.memory_space<vmem_shared>> -> memref<10080x128xf32, #tpu.memory_space<vmem_shared>>
        tpu.wait_indirect_dma semaphore(%arg28 : memref<!tpu.dma_semaphore, #tpu.memory_space<semaphore_mem>>) src(%arg19 : memref<128x128xf32, #tpu.memory_space<vmem>>) dst(%dma_wait3A_275 : memref<10080x128xf32, #tpu.memory_space<vmem_shared>>)
        %add3A_276 = arith.constant 4 : i32
        %add3A_277 = arith.addi %add3A_201, %add3A_276 : i32
        %lt3A_278 = arith.constant 80 : i32
        %lt3A_279 = arith.cmpi slt, %add3A_277, %lt3A_278 : i32
        %convert_element_type3A_280 = arith.extui %lt3A_279 : i1 to i32
        %cond3A_281 = arith.constant 0 : i32
        %cond3A_282 = arith.cmpi ne, %convert_element_type3A_280, %cond3A_281 : i32
        scf.if %cond3A_282 {
          %add3A_300 = arith.constant 4 : i32
          %add3A_301 = arith.addi %add3A_201, %add3A_300 : i32
          %dma_start3A_302 = arith.constant 0 : i32
          %dma_start3A_303 = tpu.memref_slice %arg3[%arg0, %arg1, %add3A_301, %dma_start3A_302] : memref<2x16x80x128xi32, #tpu.memory_space<hbm>> -> memref<1x1x1x128xi32, #tpu.memory_space<hbm>>
          %dma_start3A_304 = tpu.memref_squeeze %dma_start3A_303 : memref<1x1x1x128xi32, #tpu.memory_space<hbm>> -> memref<128xi32, #tpu.memory_space<hbm>>
          %dma_start3A_305 = arith.constant 0 : i32
          %dma_start3A_306 = tpu.memref_slice %arg3[%arg0, %arg1, %add3A_301, %dma_start3A_305] : memref<2x16x80x128xi32, #tpu.memory_space<hbm>> -> memref<1x1x1x128xi32, #tpu.memory_space<hbm>>
          %dma_start3A_307 = tpu.memref_squeeze %dma_start3A_306 : memref<1x1x1x128xi32, #tpu.memory_space<hbm>> -> memref<128xi32, #tpu.memory_space<hbm>>
          tpu.enqueue_dma source(%dma_start3A_307 : memref<128xi32, #tpu.memory_space<hbm>>) target(%arg13 : memref<128xi32, #tpu.memory_space<vmem>>) target_semaphore(%arg24 : memref<!tpu.dma_semaphore, #tpu.memory_space<semaphore_mem>>)
          %dma_start3A_308 = arith.constant 0 : i32
          %dma_start3A_309 = tpu.memref_slice %arg4[%arg1, %add3A_301, %dma_start3A_308] : memref<16x80x128xi32, #tpu.memory_space<hbm>> -> memref<1x1x128xi32, #tpu.memory_space<hbm>>
          %dma_start3A_310 = tpu.memref_squeeze %dma_start3A_309 : memref<1x1x128xi32, #tpu.memory_space<hbm>> -> memref<128xi32, #tpu.memory_space<hbm>>
          %dma_start3A_311 = arith.constant 0 : i32
          %dma_start3A_312 = tpu.memref_slice %arg4[%arg1, %add3A_301, %dma_start3A_311] : memref<16x80x128xi32, #tpu.memory_space<hbm>> -> memref<1x1x128xi32, #tpu.memory_space<hbm>>
          %dma_start3A_313 = tpu.memref_squeeze %dma_start3A_312 : memref<1x1x128xi32, #tpu.memory_space<hbm>> -> memref<128xi32, #tpu.memory_space<hbm>>
          tpu.enqueue_dma source(%dma_start3A_313 : memref<128xi32, #tpu.memory_space<hbm>>) target(%arg17 : memref<128xi32, #tpu.memory_space<vmem>>) target_semaphore(%arg24 : memref<!tpu.dma_semaphore, #tpu.memory_space<semaphore_mem>>)
        } else {
        }
        %add3A_283 = arith.constant 2 : i32
        %add3A_284 = arith.addi %add3A_201, %add3A_283 : i32
        %dma_wait3A_285 = arith.constant 0 : i32
        %dma_wait3A_286 = tpu.memref_slice %arg3[%arg0, %arg1, %add3A_284, %dma_wait3A_285] : memref<2x16x80x128xi32, #tpu.memory_space<hbm>> -> memref<1x1x1x128xi32, #tpu.memory_space<hbm>>
        %dma_wait3A_287 = tpu.memref_squeeze %dma_wait3A_286 : memref<1x1x1x128xi32, #tpu.memory_space<hbm>> -> memref<128xi32, #tpu.memory_space<hbm>>
        %dma_wait3A_288 = arith.constant 0 : i32
        %dma_wait3A_289 = tpu.memref_slice %arg3[%arg0, %arg1, %add3A_284, %dma_wait3A_288] : memref<2x16x80x128xi32, #tpu.memory_space<hbm>> -> memref<1x1x1x128xi32, #tpu.memory_space<hbm>>
        %dma_wait3A_290 = tpu.memref_squeeze %dma_wait3A_289 : memref<1x1x1x128xi32, #tpu.memory_space<hbm>> -> memref<128xi32, #tpu.memory_space<hbm>>
        tpu.wait_dma2 semaphore(%arg22 : memref<!tpu.dma_semaphore, #tpu.memory_space<semaphore_mem>>) src(%dma_wait3A_290 : memref<128xi32, #tpu.memory_space<hbm>>) dst(%arg11 : memref<128xi32, #tpu.memory_space<vmem>>)
        %dma_wait3A_291 = arith.constant 0 : i32
        %dma_wait3A_292 = tpu.memref_slice %arg4[%arg1, %add3A_284, %dma_wait3A_291] : memref<16x80x128xi32, #tpu.memory_space<hbm>> -> memref<1x1x128xi32, #tpu.memory_space<hbm>>
        %dma_wait3A_293 = tpu.memref_squeeze %dma_wait3A_292 : memref<1x1x128xi32, #tpu.memory_space<hbm>> -> memref<128xi32, #tpu.memory_space<hbm>>
        %dma_wait3A_294 = arith.constant 0 : i32
        %dma_wait3A_295 = tpu.memref_slice %arg4[%arg1, %add3A_284, %dma_wait3A_294] : memref<16x80x128xi32, #tpu.memory_space<hbm>> -> memref<1x1x128xi32, #tpu.memory_space<hbm>>
        %dma_wait3A_296 = tpu.memref_squeeze %dma_wait3A_295 : memref<1x1x128xi32, #tpu.memory_space<hbm>> -> memref<128xi32, #tpu.memory_space<hbm>>
        tpu.wait_dma2 semaphore(%arg22 : memref<!tpu.dma_semaphore, #tpu.memory_space<semaphore_mem>>) src(%dma_wait3A_296 : memref<128xi32, #tpu.memory_space<hbm>>) dst(%arg15 : memref<128xi32, #tpu.memory_space<vmem>>)
        %dma_start3A_297 = arith.constant 0 : i32
        %dma_start3A_298 = arith.constant 0 : i32
        %dma_start3A_299 = tpu.memref_slice %arg2[%dma_start3A_297, %dma_start3A_298] : memref<20000x128xf32, #tpu.memory_space<hbm>> -> memref<20000x128xf32, #tpu.memory_space<hbm>>
        tpu.enqueue_indirect_dma source(%dma_start3A_299 : memref<20000x128xf32, #tpu.memory_space<hbm>>) target(%arg19 : memref<128x128xf32, #tpu.memory_space<vmem>>) offsets(%arg11 : memref<128xi32, #tpu.memory_space<vmem>>) semaphore(%arg26 : memref<!tpu.dma_semaphore, #tpu.memory_space<semaphore_mem>>)
      } else {
      }
      %mul3A_235 = arith.constant 4 : i32
      %mul3A_236 = arith.muli %scan3A_130, %mul3A_235 : i32
      %add3A_237 = arith.constant 3 : i32
      %add3A_238 = arith.addi %mul3A_236, %add3A_237 : i32
      %dma_wait3A_239 = arith.constant 0 : i32
      %dma_wait3A_240 = arith.constant 0 : i32
      %dma_wait3A_241 = tpu.memref_slice %arg2[%dma_wait3A_239, %dma_wait3A_240] : memref<20000x128xf32, #tpu.memory_space<hbm>> -> memref<20000x128xf32, #tpu.memory_space<hbm>>
      tpu.wait_indirect_dma semaphore(%arg27 : memref<!tpu.dma_semaphore, #tpu.memory_space<semaphore_mem>>) src(%dma_wait3A_241 : memref<20000x128xf32, #tpu.memory_space<hbm>>) dst(%arg20 : memref<128x128xf32, #tpu.memory_space<vmem>>)
      %dma_start3A_242 = arith.constant 0 : i32
      %dma_start3A_243 = arith.constant 0 : i32
      %dma_start3A_244 = tpu.memref_slice %arg9[%dma_start3A_242, %dma_start3A_243] : memref<10080x128xf32, #tpu.memory_space<vmem_shared>> -> memref<10080x128xf32, #tpu.memory_space<vmem_shared>>
      tpu.enqueue_indirect_dma source(%arg20 : memref<128x128xf32, #tpu.memory_space<vmem>>) target(%dma_start3A_244 : memref<10080x128xf32, #tpu.memory_space<vmem_shared>>) offsets(%arg18 : memref<128xi32, #tpu.memory_space<vmem>>) semaphore(%arg29 : memref<!tpu.dma_semaphore, #tpu.memory_space<semaphore_mem>>) {add = true}
      %eq3A_245 = arith.constant 0 : i32
      %eq3A_246 = arith.cmpi eq, %arg0, %eq3A_245 : i32
      %lt3A_247 = arith.constant 40 : i32
      %lt3A_248 = arith.cmpi slt, %add3A_238, %lt3A_247 : i32
      %ge3A_249 = arith.constant 40 : i32
      %ge3A_250 = arith.cmpi sge, %add3A_238, %ge3A_249 : i32
      %select_n3A_251 = arith.select %eq3A_246, %lt3A_248, %ge3A_250 : i1
      %ne3A_252 = arith.cmpi ne, %add3A_238, %select_n3A : i32
      %and3A_253 = arith.andi %select_n3A_251, %ne3A_252 : i1
      %convert_element_type3A_254 = arith.extui %and3A_253 : i1 to i32
      %cond3A_255 = arith.constant 0 : i32
      %cond3A_256 = arith.cmpi ne, %convert_element_type3A_254, %cond3A_255 : i32
      scf.if %cond3A_256 {
        %dma_wait3A_273 = arith.constant 0 : i32
        %dma_wait3A_274 = arith.constant 0 : i32
        %dma_wait3A_275 = tpu.memref_slice %arg10[%dma_wait3A_273, %dma_wait3A_274] : memref<10080x16xf32, #tpu.memory_space<vmem_shared>> -> memref<10080x16xf32, #tpu.memory_space<vmem_shared>>
        tpu.wait_indirect_dma semaphore(%arg30 : memref<!tpu.dma_semaphore, #tpu.memory_space<semaphore_mem>>) src(%arg21 : memref<128x16xf32, #tpu.memory_space<vmem>>) dst(%dma_wait3A_275 : memref<10080x16xf32, #tpu.memory_space<vmem_shared>>)
      } else {
      }
      %convert_element_type3A_257 = arith.extui %select_n3A_251 : i1 to i32
      %cond3A_258 = arith.constant 0 : i32
      %cond3A_259 = arith.cmpi ne, %convert_element_type3A_257, %cond3A_258 : i32
      scf.if %cond3A_259 {
        %dma_start3A_273 = arith.constant 0 : i32
        %dma_start3A_274 = arith.constant 0 : i32
        %dma_start3A_275 = tpu.memref_slice %arg10[%dma_start3A_273, %dma_start3A_274] : memref<10080x16xf32, #tpu.memory_space<vmem_shared>> -> memref<10080x16xf32, #tpu.memory_space<vmem_shared>>
        tpu.enqueue_indirect_dma source(%arg21 : memref<128x16xf32, #tpu.memory_space<vmem>>) target(%dma_start3A_275 : memref<10080x16xf32, #tpu.memory_space<vmem_shared>>) offsets(%arg18 : memref<128xi32, #tpu.memory_space<vmem>>) semaphore(%arg30 : memref<!tpu.dma_semaphore, #tpu.memory_space<semaphore_mem>>) {add = true}
      } else {
      }
      %eq3A_260 = arith.cmpi eq, %add3A_238, %select_n3A_108 : i32
      %and3A_261 = arith.andi %select_n3A_251, %eq3A_260 : i1
      %convert_element_type3A_262 = arith.extui %and3A_261 : i1 to i32
      %cond3A_263 = arith.constant 0 : i32
      %cond3A_264 = arith.cmpi ne, %convert_element_type3A_262, %cond3A_263 : i32
      scf.if %cond3A_264 {
        %dma_wait3A_273 = arith.constant 0 : i32
        %dma_wait3A_274 = arith.constant 0 : i32
        %dma_wait3A_275 = tpu.memref_slice %arg10[%dma_wait3A_273, %dma_wait3A_274] : memref<10080x16xf32, #tpu.memory_space<vmem_shared>> -> memref<10080x16xf32, #tpu.memory_space<vmem_shared>>
        tpu.wait_indirect_dma semaphore(%arg30 : memref<!tpu.dma_semaphore, #tpu.memory_space<semaphore_mem>>) src(%arg21 : memref<128x16xf32, #tpu.memory_space<vmem>>) dst(%dma_wait3A_275 : memref<10080x16xf32, #tpu.memory_space<vmem_shared>>)
      } else {
      }
      %add3A_265 = arith.constant 2 : i32
      %add3A_266 = arith.addi %add3A_238, %add3A_265 : i32
      %lt3A_267 = arith.constant 80 : i32
      %lt3A_268 = arith.cmpi slt, %add3A_266, %lt3A_267 : i32
      %convert_element_type3A_269 = arith.extui %lt3A_268 : i1 to i32
      %cond3A_270 = arith.constant 0 : i32
      %cond3A_271 = arith.cmpi ne, %convert_element_type3A_269, %cond3A_270 : i32
      scf.if %cond3A_271 {
        %dma_wait3A_273 = arith.constant 0 : i32
        %dma_wait3A_274 = arith.constant 0 : i32
        %dma_wait3A_275 = tpu.memref_slice %arg9[%dma_wait3A_273, %dma_wait3A_274] : memref<10080x128xf32, #tpu.memory_space<vmem_shared>> -> memref<10080x128xf32, #tpu.memory_space<vmem_shared>>
        tpu.wait_indirect_dma semaphore(%arg29 : memref<!tpu.dma_semaphore, #tpu.memory_space<semaphore_mem>>) src(%arg20 : memref<128x128xf32, #tpu.memory_space<vmem>>) dst(%dma_wait3A_275 : memref<10080x128xf32, #tpu.memory_space<vmem_shared>>)
        %add3A_276 = arith.constant 4 : i32
        %add3A_277 = arith.addi %add3A_238, %add3A_276 : i32
        %lt3A_278 = arith.constant 80 : i32
        %lt3A_279 = arith.cmpi slt, %add3A_277, %lt3A_278 : i32
        %convert_element_type3A_280 = arith.extui %lt3A_279 : i1 to i32
        %cond3A_281 = arith.constant 0 : i32
        %cond3A_282 = arith.cmpi ne, %convert_element_type3A_280, %cond3A_281 : i32
        scf.if %cond3A_282 {
          %add3A_300 = arith.constant 4 : i32
          %add3A_301 = arith.addi %add3A_238, %add3A_300 : i32
          %dma_start3A_302 = arith.constant 0 : i32
          %dma_start3A_303 = tpu.memref_slice %arg3[%arg0, %arg1, %add3A_301, %dma_start3A_302] : memref<2x16x80x128xi32, #tpu.memory_space<hbm>> -> memref<1x1x1x128xi32, #tpu.memory_space<hbm>>
          %dma_start3A_304 = tpu.memref_squeeze %dma_start3A_303 : memref<1x1x1x128xi32, #tpu.memory_space<hbm>> -> memref<128xi32, #tpu.memory_space<hbm>>
          %dma_start3A_305 = arith.constant 0 : i32
          %dma_start3A_306 = tpu.memref_slice %arg3[%arg0, %arg1, %add3A_301, %dma_start3A_305] : memref<2x16x80x128xi32, #tpu.memory_space<hbm>> -> memref<1x1x1x128xi32, #tpu.memory_space<hbm>>
          %dma_start3A_307 = tpu.memref_squeeze %dma_start3A_306 : memref<1x1x1x128xi32, #tpu.memory_space<hbm>> -> memref<128xi32, #tpu.memory_space<hbm>>
          tpu.enqueue_dma source(%dma_start3A_307 : memref<128xi32, #tpu.memory_space<hbm>>) target(%arg14 : memref<128xi32, #tpu.memory_space<vmem>>) target_semaphore(%arg25 : memref<!tpu.dma_semaphore, #tpu.memory_space<semaphore_mem>>)
          %dma_start3A_308 = arith.constant 0 : i32
          %dma_start3A_309 = tpu.memref_slice %arg4[%arg1, %add3A_301, %dma_start3A_308] : memref<16x80x128xi32, #tpu.memory_space<hbm>> -> memref<1x1x128xi32, #tpu.memory_space<hbm>>
          %dma_start3A_310 = tpu.memref_squeeze %dma_start3A_309 : memref<1x1x128xi32, #tpu.memory_space<hbm>> -> memref<128xi32, #tpu.memory_space<hbm>>
          %dma_start3A_311 = arith.constant 0 : i32
          %dma_start3A_312 = tpu.memref_slice %arg4[%arg1, %add3A_301, %dma_start3A_311] : memref<16x80x128xi32, #tpu.memory_space<hbm>> -> memref<1x1x128xi32, #tpu.memory_space<hbm>>
          %dma_start3A_313 = tpu.memref_squeeze %dma_start3A_312 : memref<1x1x128xi32, #tpu.memory_space<hbm>> -> memref<128xi32, #tpu.memory_space<hbm>>
          tpu.enqueue_dma source(%dma_start3A_313 : memref<128xi32, #tpu.memory_space<hbm>>) target(%arg18 : memref<128xi32, #tpu.memory_space<vmem>>) target_semaphore(%arg25 : memref<!tpu.dma_semaphore, #tpu.memory_space<semaphore_mem>>)
        } else {
        }
        %add3A_283 = arith.constant 2 : i32
        %add3A_284 = arith.addi %add3A_238, %add3A_283 : i32
        %dma_wait3A_285 = arith.constant 0 : i32
        %dma_wait3A_286 = tpu.memref_slice %arg3[%arg0, %arg1, %add3A_284, %dma_wait3A_285] : memref<2x16x80x128xi32, #tpu.memory_space<hbm>> -> memref<1x1x1x128xi32, #tpu.memory_space<hbm>>
        %dma_wait3A_287 = tpu.memref_squeeze %dma_wait3A_286 : memref<1x1x1x128xi32, #tpu.memory_space<hbm>> -> memref<128xi32, #tpu.memory_space<hbm>>
        %dma_wait3A_288 = arith.constant 0 : i32
        %dma_wait3A_289 = tpu.memref_slice %arg3[%arg0, %arg1, %add3A_284, %dma_wait3A_288] : memref<2x16x80x128xi32, #tpu.memory_space<hbm>> -> memref<1x1x1x128xi32, #tpu.memory_space<hbm>>
        %dma_wait3A_290 = tpu.memref_squeeze %dma_wait3A_289 : memref<1x1x1x128xi32, #tpu.memory_space<hbm>> -> memref<128xi32, #tpu.memory_space<hbm>>
        tpu.wait_dma2 semaphore(%arg23 : memref<!tpu.dma_semaphore, #tpu.memory_space<semaphore_mem>>) src(%dma_wait3A_290 : memref<128xi32, #tpu.memory_space<hbm>>) dst(%arg12 : memref<128xi32, #tpu.memory_space<vmem>>)
        %dma_wait3A_291 = arith.constant 0 : i32
        %dma_wait3A_292 = tpu.memref_slice %arg4[%arg1, %add3A_284, %dma_wait3A_291] : memref<16x80x128xi32, #tpu.memory_space<hbm>> -> memref<1x1x128xi32, #tpu.memory_space<hbm>>
        %dma_wait3A_293 = tpu.memref_squeeze %dma_wait3A_292 : memref<1x1x128xi32, #tpu.memory_space<hbm>> -> memref<128xi32, #tpu.memory_space<hbm>>
        %dma_wait3A_294 = arith.constant 0 : i32
        %dma_wait3A_295 = tpu.memref_slice %arg4[%arg1, %add3A_284, %dma_wait3A_294] : memref<16x80x128xi32, #tpu.memory_space<hbm>> -> memref<1x1x128xi32, #tpu.memory_space<hbm>>
        %dma_wait3A_296 = tpu.memref_squeeze %dma_wait3A_295 : memref<1x1x128xi32, #tpu.memory_space<hbm>> -> memref<128xi32, #tpu.memory_space<hbm>>
        tpu.wait_dma2 semaphore(%arg23 : memref<!tpu.dma_semaphore, #tpu.memory_space<semaphore_mem>>) src(%dma_wait3A_296 : memref<128xi32, #tpu.memory_space<hbm>>) dst(%arg16 : memref<128xi32, #tpu.memory_space<vmem>>)
        %dma_start3A_297 = arith.constant 0 : i32
        %dma_start3A_298 = arith.constant 0 : i32
        %dma_start3A_299 = tpu.memref_slice %arg2[%dma_start3A_297, %dma_start3A_298] : memref<20000x128xf32, #tpu.memory_space<hbm>> -> memref<20000x128xf32, #tpu.memory_space<hbm>>
        tpu.enqueue_indirect_dma source(%dma_start3A_299 : memref<20000x128xf32, #tpu.memory_space<hbm>>) target(%arg20 : memref<128x128xf32, #tpu.memory_space<vmem>>) offsets(%arg12 : memref<128xi32, #tpu.memory_space<vmem>>) semaphore(%arg27 : memref<!tpu.dma_semaphore, #tpu.memory_space<semaphore_mem>>)
      } else {
      }
      %scan3A_272 = arith.constant 0 : i32
      scf.yield %scan3A_272 : i32
    }
    %scan3A_115 = arith.constant 20 : i32
    %dma_wait3A_116 = arith.constant 0 : i32
    %dma_wait3A_117 = arith.constant 0 : i32
    %dma_wait3A_118 = tpu.memref_slice %arg9[%dma_wait3A_116, %dma_wait3A_117] : memref<10080x128xf32, #tpu.memory_space<vmem_shared>> -> memref<10080x128xf32, #tpu.memory_space<vmem_shared>>
    tpu.wait_indirect_dma semaphore(%arg28 : memref<!tpu.dma_semaphore, #tpu.memory_space<semaphore_mem>>) src(%arg19 : memref<128x128xf32, #tpu.memory_space<vmem>>) dst(%dma_wait3A_118 : memref<10080x128xf32, #tpu.memory_space<vmem_shared>>)
    %dma_wait3A_119 = arith.constant 0 : i32
    %dma_wait3A_120 = arith.constant 0 : i32
    %dma_wait3A_121 = tpu.memref_slice %arg9[%dma_wait3A_119, %dma_wait3A_120] : memref<10080x128xf32, #tpu.memory_space<vmem_shared>> -> memref<10080x128xf32, #tpu.memory_space<vmem_shared>>
    tpu.wait_indirect_dma semaphore(%arg29 : memref<!tpu.dma_semaphore, #tpu.memory_space<semaphore_mem>>) src(%arg20 : memref<128x128xf32, #tpu.memory_space<vmem>>) dst(%dma_wait3A_121 : memref<10080x128xf32, #tpu.memory_space<vmem_shared>>)
    %barrier3A_122 = arith.constant 0 : index
    tpu.barrier barrier_id(%barrier3A_122)
    %scan3A_123 = arith.constant 0 : i32
    %scan3A_124 = arith.constant 0 : i32
    %scan3A_125 = arith.constant 8 : i32
    %scan3A_126 = arith.addi %scan3A_124, %scan3A_125 : i32
    %scan3A_127 = arith.constant 1 : i32
    %scan3A_128 = scf.for %scan3A_130 = %scan3A_124 to %scan3A_126 step %scan3A_127 iter_args(%scan3A_131 = %scan3A_123) -> (i32)  : i32 {
      %mul3A = arith.constant 16 : i32
      %mul3A_132 = arith.muli %scan3A_130, %mul3A : i32
      %add3A = arith.addi %arg1, %mul3A_132 : i32
      %lt3A = arith.constant 125 : i32
      %lt3A_133 = arith.cmpi slt, %add3A, %lt3A : i32
      %convert_element_type3A = arith.extui %lt3A_133 : i1 to i32
      %cond3A = arith.constant 0 : i32
      %cond3A_134 = arith.cmpi ne, %convert_element_type3A, %cond3A : i32
      scf.if %cond3A_134 {
        %mul3A_136 = arith.constant 80 : i32
        %mul3A_137 = arith.muli %add3A, %mul3A_136 : i32
        %mul3A_138 = arith.constant 80 : i32
        %mul3A_139 = arith.muli %add3A, %mul3A_138 : i32
        "tpu.region"() ({
          %run_scoped3A = tpu.sem_alloc : memref<!tpu.dma_semaphore, #tpu.memory_space<semaphore_mem>>
          %dma_start3A_144 = arith.constant 0 : i32
          %dma_start3A_145 = tpu.memref_slice %arg7[%arg0, %mul3A_139, %dma_start3A_144] : memref<2x10000x128xf32, #tpu.memory_space<hbm>> -> memref<1x80x128xf32, #tpu.memory_space<hbm>>
          %dma_start3A_146 = tpu.memref_squeeze %dma_start3A_145 : memref<1x80x128xf32, #tpu.memory_space<hbm>> -> memref<80x128xf32, #tpu.memory_space<hbm>>
          %dma_start3A_147 = arith.constant 0 : i32
          %dma_start3A_148 = tpu.memref_slice %arg9[%mul3A_137, %dma_start3A_147] : memref<10080x128xf32, #tpu.memory_space<vmem_shared>> -> memref<80x128xf32, #tpu.memory_space<vmem_shared>>
          tpu.enqueue_dma source(%dma_start3A_148 : memref<80x128xf32, #tpu.memory_space<vmem_shared>>) target(%dma_start3A_146 : memref<80x128xf32, #tpu.memory_space<hbm>>) target_semaphore(%run_scoped3A : memref<!tpu.dma_semaphore, #tpu.memory_space<semaphore_mem>>)
          %dma_wait3A_149 = arith.constant 0 : i32
          %dma_wait3A_150 = tpu.memref_slice %arg7[%arg0, %mul3A_139, %dma_wait3A_149] : memref<2x10000x128xf32, #tpu.memory_space<hbm>> -> memref<1x80x128xf32, #tpu.memory_space<hbm>>
          %dma_wait3A_151 = tpu.memref_squeeze %dma_wait3A_150 : memref<1x80x128xf32, #tpu.memory_space<hbm>> -> memref<80x128xf32, #tpu.memory_space<hbm>>
          %dma_wait3A_152 = arith.constant 0 : i32
          %dma_wait3A_153 = tpu.memref_slice %arg9[%mul3A_137, %dma_wait3A_152] : memref<10080x128xf32, #tpu.memory_space<vmem_shared>> -> memref<80x128xf32, #tpu.memory_space<vmem_shared>>
          tpu.wait_dma2 semaphore(%run_scoped3A : memref<!tpu.dma_semaphore, #tpu.memory_space<semaphore_mem>>) src(%dma_wait3A_153 : memref<80x128xf32, #tpu.memory_space<vmem_shared>>) dst(%dma_wait3A_151 : memref<80x128xf32, #tpu.memory_space<hbm>>)
          tpu.yield
        }) : () -> ()
        %mul3A_140 = arith.constant 80 : i32
        %mul3A_141 = arith.muli %add3A, %mul3A_140 : i32
        %mul3A_142 = arith.constant 80 : i32
        %mul3A_143 = arith.muli %add3A, %mul3A_142 : i32
        "tpu.region"() ({
          %run_scoped3A = tpu.sem_alloc : memref<!tpu.dma_semaphore, #tpu.memory_space<semaphore_mem>>
          %dma_start3A_144 = arith.constant 0 : i32
          %dma_start3A_145 = tpu.memref_slice %arg8[%arg0, %mul3A_143, %dma_start3A_144] : memref<2x10000x16xf32, #tpu.memory_space<hbm>> -> memref<1x80x16xf32, #tpu.memory_space<hbm>>
          %dma_start3A_146 = tpu.memref_squeeze %dma_start3A_145 : memref<1x80x16xf32, #tpu.memory_space<hbm>> -> memref<80x16xf32, #tpu.memory_space<hbm>>
          %dma_start3A_147 = arith.constant 0 : i32
          %dma_start3A_148 = tpu.memref_slice %arg10[%mul3A_141, %dma_start3A_147] : memref<10080x16xf32, #tpu.memory_space<vmem_shared>> -> memref<80x16xf32, #tpu.memory_space<vmem_shared>>
          tpu.enqueue_dma source(%dma_start3A_148 : memref<80x16xf32, #tpu.memory_space<vmem_shared>>) target(%dma_start3A_146 : memref<80x16xf32, #tpu.memory_space<hbm>>) target_semaphore(%run_scoped3A : memref<!tpu.dma_semaphore, #tpu.memory_space<semaphore_mem>>)
          %dma_wait3A_149 = arith.constant 0 : i32
          %dma_wait3A_150 = tpu.memref_slice %arg8[%arg0, %mul3A_143, %dma_wait3A_149] : memref<2x10000x16xf32, #tpu.memory_space<hbm>> -> memref<1x80x16xf32, #tpu.memory_space<hbm>>
          %dma_wait3A_151 = tpu.memref_squeeze %dma_wait3A_150 : memref<1x80x16xf32, #tpu.memory_space<hbm>> -> memref<80x16xf32, #tpu.memory_space<hbm>>
          %dma_wait3A_152 = arith.constant 0 : i32
          %dma_wait3A_153 = tpu.memref_slice %arg10[%mul3A_141, %dma_wait3A_152] : memref<10080x16xf32, #tpu.memory_space<vmem_shared>> -> memref<80x16xf32, #tpu.memory_space<vmem_shared>>
          tpu.wait_dma2 semaphore(%run_scoped3A : memref<!tpu.dma_semaphore, #tpu.memory_space<semaphore_mem>>) src(%dma_wait3A_153 : memref<80x16xf32, #tpu.memory_space<vmem_shared>>) dst(%dma_wait3A_151 : memref<80x16xf32, #tpu.memory_space<hbm>>)
          tpu.yield
        }) : () -> ()
      } else {
      }
      %scan3A_135 = arith.constant 0 : i32
      scf.yield %scan3A_135 : i32
    }
    %scan3A_129 = arith.constant 8 : i32
    return
  }
}

</mosaic_0001>

<sc_bundles>
// kernel: _sc_segment_sum.3.cloned.1.call-start
scs
__scs_entry_jumppad:
0x0: {  	(pc) =	sbr.rel $0x88, $3  }
0x1: {  	(tag) =	ssettag $0x0;
	lr =	simm.s32 $0x1  }
0x2: {  	[smem:$0x3F9C] =	sst lr;
	_ =	strace $0xD0000000  }
0x3: {  	_ = 	snop  }
0x4: {  	_ = 	snop  }
0x5: {  	_ = 	snop  }
0x6: {  	_ = 	snop  }
0x7: {  	_ = 	snop  }
__scs_overlays_trampoline_lowered:
0x8: {  	[smem:$0x3FAB] =	sst s0  }
0x9: {  	[smem:$0x3FAC] =	sst s1  }
0xa: {  	[smem:$0x3FAD] =	sst s2  }
0xb: {  	[smem:$0x3FAE] =	sst s3  }
0xc: {  	[smem:$0x3FAF] =	sst s4  }
0xd: {  	[smem:$0x3FB0] =	sst s5  }
0xe: {  	[smem:$0x3FB1] =	sst s6  }
0xf: {  	[smem:$0x3FB2] =	sst s7  }
0x10: {  	[smem:$0x3FB3] =	sst s8  }
0x11: {  	[smem:$0x3FB4] =	sst s9;
	s0 =	simm.s32 @!p0 $0x0  }
0x12: {  	s1 =	sld [smem:$0x3F9A];
	s0 =	simm.s32 @p0 $0x1  }
0x13: {  	[smem:$0x3FB5] =	sst s0;
	s0 =	simm.s32 @!p1 $0x0  }
0x14: {  	s2 =	sld [smem:$0x3F99];
	s0 =	simm.s32 @p1 $0x1  }
0x15: {  	[smem:$0x3FB6] =	sst s0;
	s0 =	simm.s32 @!p2 $0x0  }
0x16: {  	s3 =	sld [smem:$0x3FDB];
	s0 =	simm.s32 @p2 $0x1  }
0x17: {  	s4 =	simm.s32 $0x1BF5;
	[smem:$0x3FB8] =	sst s0  }
0x18: {  	s0 =	sld [smem:$0x3F9B];
	_ =	swait.ge [sflag:s4], $0x0  }
0x19: {  	s7 =	sld [smem:$0x3F9C]  }
0x1a: {  	s8 =	sadd.s32 $0xFFFFE003, lr  }
0x1b: {  	s9 =	sadd.s32 $0xFFFFFEF7, lr;
	s5 =	simm.s32 $0xFFFFFFFF;
	p2 =	slt.u32 s8, $0xFFFFF086  }
0x1c: {  	p1 =	slt.u32 s9, $0xF7A;
	s5 =	simm.s32 @!p2 $0x0  }
0x1d: {  	s5 =	simm.s32 @p1 $0x1;
	p0 =	seq.s32 s7, s2  }
0x1e: {  	s7 =	smul.u32 @!p0 $0xF7A, s2;
	p2 =	seq.s32 @!p0 s5, $0x0  }
0x1f: {  	s9 =	smul.u32 $0xF7A, s1;
	s8 =	simm.s32 @!p0 $0x1BF5;
	p2 =	por !p2, p0  }
0x20: {  	[sflag:s8] =	ssyncset.s32 @!p0 $0xFFFFF086;
	s6 =	sadd.s32 @!p0 s3, s7;
	s7 =	simm.s32 @!p0 $0x108  }
0x21: {  	s3 =	sadd.s32 s3, s9;
	s6 =	sadd.s32 @!p0 $0x88, s6;
	s7 =	simm.s32 @p2 $0x1082  }
0x22: {  	[simem:s7], [sflag:s8] =	dma.local @!p0 [hbm:s6], $0xF7A  }
0x23: {  	s9 =	sor.u32 $0xD0000000, s2;
	s6 =	simm.s32 $0x108;
	_ =	swait.ge @!p0 [sflag:s8], $0x0  }
0x24: {  	s3 =	sadd.s32 $0x88, s3;
	s6 =	simm.s32 @!p1 $0x1082;
	[sflag:s4] =	ssyncset.s32 $0xFFFFF086  }
0x25: {  	[simem:s6], [sflag:s4] =	dma.local [hbm:s3], $0xF7A  }
0x26: {  	[smem:$0x3F9C] =	sst s1;
	(tag) =	ssettag s2;
	_ =	strace s9  }
0x27: {  	s1 =	sld [smem:$0x3FAC]  }
0x28: {  	s2 =	sld [smem:$0x3FAD]  }
0x29: {  	s4 =	sld [smem:$0x3FAF]  }
0x2a: {  	p0 =	seq.s32 s5, $0x0;
	s5 =	sld [smem:$0x3FB0]  }
0x2b: {  	s6 =	sld [smem:$0x3FB1]  }
0x2c: {  	s7 =	sld [smem:$0x3FB2]  }
0x2d: {  	s3 =	simm.s32 $0x108;
	s8 =	sld [smem:$0x3FB3]  }
0x2e: {  	s3 =	simm.s32 @!p0 $0x1082;
	s9 =	sld [smem:$0x3FB4]  }
0x2f: {  	lr =	sadd.s32 s0, s3;
	s0 =	sld [smem:$0x3FAB]  }
0x30: {  	s3 =	sld [smem:$0x3FAE]  }
0x31: {  	[smem:$0x3FB7] =	sst s10  }
0x32: {  	s10 =	sld [smem:$0x3FB5];
	_ =	sdelay $0x3  }
0x33: {  	p0 =	seq.s32 s10, $0x1;
	s10 =	sld [smem:$0x3FB7];
	_ =	sdelay $0x3  }
0x34: {  	[smem:$0x3FB7] =	sst s10  }
0x35: {  	s10 =	sld [smem:$0x3FB6];
	_ =	sdelay $0x3  }
0x36: {  	p1 =	seq.s32 s10, $0x1;
	s10 =	sld [smem:$0x3FB7];
	_ =	sdelay $0x3  }
0x37: {  	[smem:$0x3FB7] =	sst s10  }
0x38: {  	s10 =	sld [smem:$0x3FB8]  }
0x39: {  	_ = 	snop;
	(pc) =	sbr.ind lr, $3  }
0x3a: {  	_ = 	snop  }
0x3b: {  	_ = 	snop  }
0x3c: {  	p2 =	seq.s32 s10, $0x1;
	s10 =	sld [smem:$0x3FB7]  }
0x3d: {  	_ =	shalt  }
0x3e: {  	_ =	shalt  }
0x3f: {  	_ =	shalt  }
0x40: {  	_ =	shalt  }
0x41: {  	_ =	shalt  }
0x42: {  	_ =	shalt  }
0x43: {  	_ =	shalt  }
0x44: {  	_ =	shalt  }
0x45: {  	_ =	shalt  }
0x46: {  	_ =	shalt  }
0x47: {  	_ =	shalt  }
0x48: {  	_ =	shalt  }
0x49: {  	_ =	shalt  }
0x4a: {  	_ =	shalt  }
0x4b: {  	_ =	shalt  }
0x4c: {  	_ =	shalt  }
0x4d: {  	_ =	shalt  }
0x4e: {  	_ =	shalt  }
0x4f: {  	_ =	shalt  }
0x50: {  	_ =	shalt  }
0x51: {  	_ =	shalt  }
0x52: {  	_ =	shalt  }
0x53: {  	_ =	shalt  }
0x54: {  	_ =	shalt  }
0x55: {  	_ =	shalt  }
0x56: {  	_ =	shalt  }
0x57: {  	_ =	shalt  }
0x58: {  	_ =	shalt  }
0x59: {  	_ =	shalt  }
0x5a: {  	_ =	shalt  }
0x5b: {  	_ =	shalt  }
0x5c: {  	_ =	shalt  }
0x5d: {  	_ =	shalt  }
0x5e: {  	_ =	shalt  }
0x5f: {  	_ =	shalt  }
0x60: {  	_ =	shalt  }
0x61: {  	_ =	shalt  }
0x62: {  	_ =	shalt  }
0x63: {  	_ =	shalt  }
0x64: {  	_ =	shalt  }
0x65: {  	_ =	shalt  }
0x66: {  	_ =	shalt  }
0x67: {  	_ =	shalt  }
0x68: {  	_ =	shalt  }
0x69: {  	_ =	shalt  }
0x6a: {  	_ =	shalt  }
0x6b: {  	_ =	shalt  }
0x6c: {  	_ =	shalt  }
0x6d: {  	_ =	shalt  }
0x6e: {  	_ =	shalt  }
0x6f: {  	_ =	shalt  }
0x70: {  	_ =	shalt  }
0x71: {  	_ =	shalt  }
0x72: {  	_ =	shalt  }
0x73: {  	_ =	shalt  }
0x74: {  	_ =	shalt  }
0x75: {  	_ =	shalt  }
0x76: {  	_ =	shalt  }
0x77: {  	_ =	shalt  }
0x78: {  	_ =	shalt  }
0x79: {  	_ =	shalt  }
0x7a: {  	_ =	shalt  }
0x7b: {  	_ =	shalt  }
0x7c: {  	_ =	shalt  }
0x7d: {  	_ =	shalt  }
0x7e: {  	_ =	shalt  }
0x7f: {  	_ =	shalt  }
0x80: {  	_ =	shalt  }
0x81: {  	_ =	shalt  }
0x82: {  	_ =	shalt  }
0x83: {  	_ =	shalt  }
0x84: {  	_ =	shalt  }
0x85: {  	_ =	shalt  }
0x86: {  	_ =	shalt  }
0x87: {  	_ =	shalt  }
.Lfunc_end0:
.L_simem_size_0:
called_computation_lowered:
.L_overlay_start_0:
0x88: {  	s2 =	sld [smem:$0x3FD9]  }
0x89: {  	s3 =	sld [smem:$0x3FFE];
	_ =	sdelay $0x1  }
0x8a: {  	s1 =	srdreg.scid  }
0x8b: {  	s0 =	sand.u32 $0x1, s1  }
0x8c: {  	s14 =	sshll.u32 s0, $0xA;
	s2 =	sadd.s32 s3, s2  }
0x8d: {  	s2 =	sadd.s32 s2, s14  }
0x8e: {  	[smem:$0x3FC3] =	sst s2  }
0x8f: {  	_ = 	snop  }
0x90: {  	s2 =	sld [smem:$0x3FC9]  }
0x91: {  	s15 =	sld [smem:$0x3FD0]  }
0x92: {  	s4 =	sld [smem:$0x3FC8]  }
0x93: {  	s5 =	sld [smem:$0x3FC7]  }
0x94: {  	s7 =	simm.s32 $0xA;
	s8 =	simm.s32 $0x10;
	s6 =	sld [smem:$0x3FC6]  }
0x95: {  	[smem:s8], [sflag:s7] =	dma.local [hbm:s15], $0x1  }
0x96: {  	_ =	swait.eq [sflag:s7], $0x1  }
0x97: {  	[sflag:s7] =	ssyncset.done $0x0  }
0x98: {  	s16 =	sld [smem:$0x10];
	[sflag:s7] =	ssyncadd.s32 $0xFFFFFFFF  }
0x99: {  	s17 =	sld [smem:$0x11];
	(tm) =	ssettm $0x1  }
0x9a: {  	s18 =	sld [smem:$0x3FFB];
	_ =	sdelay $0x3  }
0x9b: {  	_ =	strace s18  }
0x9c: {  	s8 =	sld [smem:$0x3FFC];
	_ =	sdelay $0x3  }
0x9d: {  	_ =	strace s8  }
0x9e: {  	s8 =	sld [smem:$0x3FFD];
	_ =	sdelay $0x3  }
0x9f: {  	_ =	strace s8  }
0xa0: {  	_ =	strace $0x8FFFFFFF  }
0xa1: {  	s19 =	sld [smem:$0x3FDB];
	_ =	sdelay $0x1  }
0xa2: {  	s9 =	simm.s32 $_scs_section_size  }
0xa3: {  	s10 =	simm.s32 $_size__tile_overlayer_lowered;
	s11 =	simm.s32 $_tile_overlayer_lowered  }
0xa4: {  	s22 =	simm.s32 $0x1BFF;
	s21 =	sshll.u32 s11, $0x1;
	s8 =	sadd.s32 s9, s19  }
0xa5: {  	s12 =	simm.s32 $0x0;
	s20 =	sshll.u32 s10, $0x1;
	s10 =	sadd.s32 s21, s8  }
0xa6: {  	[timem:s12], [sflag:s22] =	dma.local [hbm:s10], s20  }
0xa7: {  	_ =	swait.ge [sflag:s22], s20  }
0xa8: {  	s9 =	ssub.s32 $0x0, s20;
	[sflag:s22] =	ssyncset.done $0x0  }
0xa9: {  	[sflag:s22] =	ssyncadd.s32 s9;
	_ =	sdelay $0x1  }
0xaa: {  	s23 =	simm.s32 $0x1B8B  }
0xab: {  	_ =	swait.ge [sflag:s23], $0x1  }
0xac: {  	[sflag:s23] =	ssyncset.done $0x0  }
0xad: {  	s25 =	simm.s32 $0x1B8E;
	s24 =	sld [smem:$0x3FFE];
	[sflag:s23] =	ssyncadd.s32 $0xFFFFFFFF  }
0xae: {  	s26 =	simm.s32 $execute0_lowered;
	[smem:$0x3FD2] =	sst s25  }
0xaf: {  	s10 =	sshll.u32 s26, $0x1;
	_ =	strace $0x80000046;
	[dreg:$0x1] =	wrdreg $0xFFFFFFFF  }
0xb0: {  	s28 =	simm.s32 $_size_execute0_lowered;
	s8 =	sadd.s32 s8, s10;
	[dreg:$0x0] =	wrdreg $0x0  }
0xb1: {  	s10 =	sshll.u32 s28, $0x1;
	[dreg:$0x2] =	wrdreg s8  }
0xb2: {  	[dreg:$0x3] =	wrdreg s10  }
0xb3: {  	[dreg:$0x4] =	wrdreg $0xC0  }
0xb4: {  	_ =	task [dreg:s12], $0x5FFFF  }
0xb5: {  	[dreg:$0x1] =	wrdreg $0xFFFFFFFF  }
0xb6: {  	[dreg:$0x0] =	wrdreg $0x60  }
0xb7: {  	[dreg:$0x2] =	wrdreg s2  }
0xb8: {  	[dreg:$0x3] =	wrdreg s4  }
0xb9: {  	[dreg:$0x4] =	wrdreg s5  }
0xba: {  	[dreg:$0x5] =	wrdreg s6  }
0xbb: {  	[dreg:$0x6] =	wrdreg s24  }
0xbc: {  	[dreg:$0x7] =	wrdreg s16  }
0xbd: {  	[dreg:$0x8] =	wrdreg s17  }
0xbe: {  	[dreg:$0x9] =	wrdreg $0x0  }
0xbf: {  	[dreg:$0xa] =	wrdreg $0x13B000  }
0xc0: {  	[dreg:$0xb] =	wrdreg $0x9  }
0xc1: {  	_ =	task.clear_ibuf [dreg:s12], $0xCFFFF;
	_ =	strace $0x90000046  }
0xc2: {  	s29 =	simm.s32 $0x9;
	_ =	strace $0x80000048  }
0xc3: {  	_ =	swait.ge [sflag:s29], $0x1  }
0xc4: {  	[sflag:s29] =	ssyncadd.s32 $0xFFFFFFFF  }
0xc5: {  	_ =	strace $0x90000048  }
0xc6: {  	_ =	sfence  }
0xc7: {  	s30 =	sld [smem:$0x0];
	_ =	sdelay $0x2  }
0xc8: {  	s31 =	sshll.u32 s1, $0xD;
	s1 =	sshrl.u32 s1, $0x2  }
0xc9: {  	s3 =	sand.u32 $0x4000, s31;
	s1 =	sadd.s32 s1, s30  }
0xca: {  	s0 =	sor.u32 s3, s0;
	s1 =	sshll.u32 s1, $0x11  }
0xcb: {  	s0 =	sor.u32 s1, s0  }
0xcc: {  	s0 =	sadd.s32 $0x8F2B, s0  }
0xcd: {  	[sflag:s0] =	ssyncadd.remote.s32 $0x1  }
0xce: {  	_ =	sfence.sel $0xFFFF  }
0xcf: {  	[dreg:$0x0] =	wrdreg $0xFFFFFFFF;
	(pc) =	sbr.abs _section_cstart, $3  }
0xd0: {  	[dreg:$0x1] =	wrdreg $0xFFFFFFFF  }
0xd1: {  	_ =	task.clear_ibuf [dreg:s12], $0x2FFFF;
	_ =	strace $0x9FFFFFFF  }
0xd2: {  	(tm) =	ssettm $0x7FFFFFFF  }
0xd3: {  	_ =	shalt  }
tec
execute0_lowered:
.L_overlay_start_1:
0x0: {  	(tag) =	ssettag $0x1  }
0x1: {  	s0 =	rddreg [dreg:$0x0]  }
0x2: {  	s1 =	rddreg [dreg:$0x1]  }
0x3: {  	s2 =	rddreg [dreg:$0x2]  }
0x4: {  	s6 =	rddreg [dreg:$0x4]  }
0x5: {  	s7 =	rddreg [dreg:$0x5]  }
0x6: {  	s8 =	rddreg [dreg:$0x6]  }
0x7: {  	s3 =	rddreg [dreg:$0x7];
	s5 =	srdreg.scid  }
0x8: {  	s4 =	rddreg [dreg:$0x8];
	s11 =	simm.s32 $0x0;
	s9 =	sand.u32 $0x1, s5  }
0x9: {  	s28 =	simm.s32 $0x165E0;
	s5 =	stileid.u32;
	s10 =	smul.u32 $0x28000, s9  }
0xa: {  	[smem:$0x7FF] =	sst s11;
	s6 =	sadd.s32 $0x800, s6;
	s12 =	smul.u32 $0x2800, s5  }
0xb: {  	s29 =	simm.s32 $0x2;
	_ =	strace $0x80000047;
	s31 =	smul.u32 $0x138800, s9  }
0xc: {  	[dreg:$0xa] =	wrdreg s6;
	s24 =	ssub.s32 $0x2, s9;
	s15 =	smul.u32 $0xA000, s5  }
0xd: {  	s25 =	ssub.s32 $0x0, s9;
	p0 =	seq.s32 s9, $0x0;
	s9 =	smul.u32 $0x27100, s9  }
0xe: {  	s20 =	smul.u32 $0x500, s5;
	s26 =	sshrl.u32 s24, $0x1;
	s13 =	sadd.s32 s12, s10  }
0xf: {  	s6 =	ssub.s32 s24, s26;
	s30 =	sshrl.u32 s12, $0x3;
	s10 =	sand.u32 $0x280, s25  }
0x10: {  	s18 =	sshrl.u32 s15, $0x2;
	s12 =	sadd.s32 s12, s31;
	s31 =	sor.u32 $0x10, s5  }
0x11: {  	s14 =	sshrl.u32 s13, $0x3;
	s11 =	sadd.s32 s2, s30;
	[dreg:$0xd] =	wrdreg s10  }
0x12: {  	s10 =	simm.s32 $0x240;
	s16 =	sor.u32 $0x380, s13;
	s6 =	smax.u32 s6, $0x1  }
0x13: {  	s22 =	sor.u32 $0x300, s13;
	s23 =	sor.u32 $0x280, s13;
	s13 =	sor.u32 $0x200, s13  }
0x14: {  	s30 =	smul.u32 $0x1400, s5;
	s12 =	sshrl.u32 s12, $0x3;
	s24 =	sadd.s32 s1, s14  }
0x15: {  	s10 =	simm.s32 @!p0 $0x4C0;
	[dreg:$0xf] =	wrdreg s6;
	s19 =	sshrl.u32 s16, $0x3  }
0x16: {  	s6 =	sadd.s32 s18, s3;
	s15 =	sshrl.u32 s22, $0x3;
	s16 =	sshrl.u32 s23, $0x3  }
0x17: {  	s13 =	sshrl.u32 s13, $0x3;
	s18 =	sadd.s32 s20, s2;
	[dreg:$0xc] =	wrdreg s11  }
0x18: {  	s7 =	sadd.s32 s12, s7;
	s22 =	sor.u32 $0x30, s5;
	[dreg:$0xe] =	wrdreg s10  }
0x19: {  	[dreg:$0x10] =	wrdreg s6;
	s21 =	sadd.s32 s19, s1;
	s25 =	sadd.s32 s15, s1  }
0x1a: {  	s26 =	sadd.s32 s16, s1;
	s17 =	sadd.s32 s13, s1;
	s6 =	sadd.s32 s20, s9  }
0x1b: {  	s9 =	smul.u32 $0xA000, s31;
	s1 =	sshrl.u32 s30, $0x2;
	[dreg:$0x13] =	wrdreg s7  }
0x1c: {  	s10 =	smul.u32 $0x1400, s31;
	s13 =	sor.u32 $0x20, s5;
	[dreg:$0xb] =	wrdreg s24  }
0x1d: {  	s23 =	smul.u32 $0xA000, s22;
	s30 =	sor.u32 $0x50, s5;
	[dreg:$0x11] =	wrdreg s21  }
0x1e: {  	s20 =	sor.u32 $0x60, s5;
	[dreg:$0x12] =	wrdreg s25;
	s14 =	smul.u32 $0xA000, s13  }
0x1f: {  	[smem:$0x7F3] =	sst s26;
	s2 =	sshrl.u32 s6, $0x3;
	s7 =	smul.u32 $0x1400, s13  }
0x20: {  	s15 =	sadd.s32 s1, s4;
	s25 =	sor.u32 $0x40, s5;
	s19 =	smul.u32 $0xA000, s30  }
0x21: {  	s6 =	sshrl.u32 s9, $0x2;
	s2 =	sadd.s32 s2, s8;
	s8 =	smul.u32 $0x1400, s22  }
0x22: {  	s21 =	sshrl.u32 s10, $0x2;
	s9 =	sshrl.u32 s23, $0x2;
	s26 =	smul.u32 $0xA000, s25  }
0x23: {  	s12 =	smul.u32 $0x1400, s25;
	s22 =	sor.u32 $0x70, s5;
	s25 =	sadd.s32 $0x20, s24  }
0x24: {  	[dreg:$0x14] =	wrdreg s2;
	s2 =	sshrl.u32 s14, $0x2;
	s14 =	smul.u32 $0x1400, s30  }
0x25: {  	s16 =	sadd.s32 s6, s3;
	s6 =	sadd.s32 s21, s4;
	s21 =	smul.u32 $0xA000, s20  }
0x26: {  	[dreg:$0x15] =	wrdreg s15;
	s7 =	sshrl.u32 s7, $0x2;
	s20 =	smul.u32 $0x1400, s20  }
0x27: {  	s9 =	sadd.s32 s9, s3;
	s19 =	sshrl.u32 s19, $0x2;
	s23 =	smul.u32 $0xA000, s22  }
0x28: {  	p1 =	sgt.u32 s22, $0x7D;
	s22 =	smul.u32 $0x1400, s22;
	[smem:$0x7FA] =	sst s25  }
0x29: {  	s30 =	sadd.s32 $0x30, s24;
	s2 =	sadd.s32 s2, s3;
	s7 =	sadd.s32 s7, s4  }
0x2a: {  	s8 =	sshrl.u32 s8, $0x2;
	s13 =	sshrl.u32 s26, $0x2;
	s12 =	sshrl.u32 s12, $0x2  }
0x2b: {  	s19 =	sadd.s32 s19, s3;
	s1 =	sshrl.u32 s16, $0x3;
	s31 =	sshrl.u32 s6, $0x3  }
0x2c: {  	s26 =	sadd.s32 $0x20, s11;
	[smem:$0x7FC] =	sst s30;
	s8 =	sadd.s32 s8, s4  }
0x2d: {  	s13 =	sadd.s32 s13, s3;
	s12 =	sadd.s32 s12, s4;
	s14 =	sshrl.u32 s14, $0x2  }
0x2e: {  	s21 =	sshrl.u32 s21, $0x2;
	s20 =	sshrl.u32 s20, $0x2;
	[dreg:$0x16] =	wrdreg s1  }
0x2f: {  	s23 =	sshrl.u32 s23, $0x2;
	s22 =	sshrl.u32 s22, $0x2;
	[dreg:$0x17] =	wrdreg s31  }
0x30: {  	s2 =	sshrl.u32 s2, $0x3;
	s6 =	sshrl.u32 s7, $0x3;
	[smem:$0x7FB] =	sst s26  }
0x31: {  	s7 =	sshrl.u32 s9, $0x3;
	s31 =	sadd.s32 $0x30, s11;
	[dreg:$0x18] =	wrdreg s2  }
0x32: {  	s26 =	simm.s32 $0x163E0;
	s14 =	sadd.s32 s14, s4;
	[dreg:$0x19] =	wrdreg s6  }
0x33: {  	s21 =	sadd.s32 s21, s3;
	s20 =	sadd.s32 s20, s4;
	[dreg:$0x1a] =	wrdreg s7  }
0x34: {  	s23 =	sadd.s32 s23, s3;
	s9 =	sshrl.u32 s8, $0x3;
	[smem:$0x7FD] =	sst s31  }
0x35: {  	s22 =	sadd.s32 s22, s4;
	s10 =	sshrl.u32 s13, $0x3;
	[dreg:$0x1b] =	wrdreg s9  }
0x36: {  	s12 =	sshrl.u32 s12, $0x3;
	s13 =	sshrl.u32 s19, $0x3;
	[dreg:$0x1c] =	wrdreg s10  }
0x37: {  	s8 =	simm.s32 $0x8;
	s7 =	simm.s32 $0x4;
	[dreg:$0x1d] =	wrdreg s12  }
0x38: {  	s6 =	simm.s32 $0x0;
	[dreg:$0x1e] =	wrdreg s13;
	s16 =	sshrl.u32 s14, $0x3  }
0x39: {  	s19 =	sshrl.u32 s21, $0x3;
	s21 =	sshrl.u32 s20, $0x3;
	[dreg:$0x1f] =	wrdreg s16  }
0x3a: {  	s1 =	sshrl.u32 @!p1 s23, $0x3;
	s23 =	sadd.s32 $0x10, s11;
	[smem:$0x7F4] =	sst s19  }
0x3b: {  	s9 =	simm.s32 $0x80;
	s20 =	simm.s32 $0x5;
	[smem:$0x7F5] =	sst s21  }
0x3c: {  	s13 =	simm.s32 $0x7;
	[smem:$0x7F6] =	sst s1;
	s1 =	sshrl.u32 @!p1 s22, $0x3  }
0x3d: {  	s22 =	sadd.s32 $0x10, s24;
	[smem:$0x7F9] =	sst s23;
	s19 =	simm.s32 $0x1A660  }
0x3e: {  	s21 =	simm.s32 $0x3;
	s16 =	simm.s32 $0x162E0;
	[smem:$0x7F7] =	sst s1  }
0x3f: {  	v0 =	vimm.f32 $1.000000000e+00;
	[smem:$0x7F8] =	sst s22;
	s22 =	simm.s32 $0x16660;
	s1 =	simm.s32 $0x6  }
.LBB2_1:
0x40: {  	[smem:$0x7F2] =	sst s6;
	s2 =	simm.s32 $0x40;
	s6 =	simm.s32 $0x0  }
.LBB2_2:
0x41: {  	p2 =	sne.s32 s2, $0x1FC0;
	[tilespmem:s6+$0x1E660] =	vst v0;
	s6 =	smov.u32 s2;
	s2 =	sadd.s32 $0x40, s2  }
.Ltmp0:
0x42: {  	(pc) =	sbr.rel @p2 .LBB2_2-.Ltmp0, $2  }
0x43: {  	_ =	sdelay $0x2  }
0x44: {  	s6 =	sshra.s32 s6, $0x2  }
0x45: {  	s11 =	rddreg [dreg:$0xb]  }
0x46: {  	[tilespmem:s6+$0x1E660] =	vst v0;
	s2 =	simm.s32 $0x0;
	s10 =	simm.s32 $0x16260;
	s12 =	rddreg [dreg:$0xc]  }
0x47: {  	[tilespmem:s10], [sflag:$0x1] =	stream.linear.gather [hbm4b:s11+s2], $0x80, $0x38;
	[tilespmem:$0x1EE60] =	vst v63  }
0x48: {  	s14 =	sld [smem:$0x7F8];
	s11 =	simm.s32 $0x16460  }
0x49: {  	[tilespmem:s11], [sflag:$0x1] =	stream.linear.gather [hbm4b:s12+s2], $0x80, $0x38;
	[tilespmem:$0x1EE60] =	vst v63  }
0x4a: {  	s23 =	sld [smem:$0x7F9];
	s11 =	simm.s32 $0x162E0  }
0x4b: {  	[tilespmem:s11], [sflag:$0x2] =	stream.linear.gather [hbm4b:s14+s2], $0x80, $0x38;
	[tilespmem:$0x1EE60] =	vst v63  }
0x4c: {  	s24 =	simm.s32 $0x1;
	s12 =	simm.s32 $0x164E0  }
0x4d: {  	[tilespmem:s12], [sflag:$0x2] =	stream.linear.gather [hbm4b:s23+s2], $0x80, $0x38;
	[tilespmem:$0x1EE60] =	vst v63  }
0x4e: {  	_ =	swait.ge [sflag:s24], $0x80  }
0x4f: {  	[sflag:s24] =	ssyncset.done $0x0  }
0x50: {  	[sflag:s24] =	ssyncadd.s32 $0xFFFFFF80  }
0x51: {  	_ =	swait.ge [sflag:s24], $0x80  }
0x52: {  	s25 =	sshll.u32 s5, $0x6;
	[sflag:s24] =	ssyncset.done $0x0  }
0x53: {  	s23 =	sor.u32 $0x1C0B, s25;
	s12 =	rddreg [dreg:$0x10];
	[sflag:s24] =	ssyncadd.s32 $0xFFFFFF80  }
0x54: {  	[tilespmem:s22], [sflag:$0x5] =	stream.indirect.gather [hbm4b:s0+s9], $0x80, s10, s9, $0xb8;
	[tilespmem:$0x1EE60] =	vst v63  }
0x55: {  	s6 =	sshrl.u32 s12, $0x3;
	s12 =	simm.s32 $0xB;
	s10 =	rddreg [dreg:$0x3]  }
0x56: {  	[spmem:s6], [sflag:s23] =	dma.local [hbm:s10], $0x500  }
0x57: {  	_ =	swait.ge [sflag:s12], $0x500  }
0x58: {  	s30 =	sor.u32 $0x1C0A, s25;
	[sflag:s12] =	ssyncset.done $0x0  }
0x59: {  	s14 =	sshrl.u32 s15, $0x3;
	s6 =	rddreg [dreg:$0xa];
	[sflag:s12] =	ssyncadd.s32 $0xFFFFFB00  }
0x5a: {  	[spmem:s14], [sflag:s30] =	dma.local [hbm:s6], $0xA0  }
0x5b: {  	s14 =	simm.s32 $0xA  }
0x5c: {  	_ =	swait.ge [sflag:s14], $0xA0  }
0x5d: {  	[sflag:s14] =	ssyncset.done $0x0  }
0x5e: {  	s15 =	rddreg [dreg:$0x16];
	[sflag:s14] =	ssyncadd.s32 $0xFFFFFF60  }
0x5f: {  	[spmem:s15], [sflag:s23] =	dma.local [hbm:s10], $0x500  }
0x60: {  	_ =	swait.ge [sflag:s12], $0x500  }
0x61: {  	[sflag:s12] =	ssyncset.done $0x0  }
0x62: {  	s24 =	rddreg [dreg:$0x17];
	[sflag:s12] =	ssyncadd.s32 $0xFFFFFB00  }
0x63: {  	[spmem:s24], [sflag:s30] =	dma.local [hbm:s6], $0xA0  }
0x64: {  	_ =	swait.ge [sflag:s14], $0xA0  }
0x65: {  	[sflag:s14] =	ssyncset.done $0x0  }
0x66: {  	s25 =	rddreg [dreg:$0x18];
	[sflag:s14] =	ssyncadd.s32 $0xFFFFFF60  }
0x67: {  	[spmem:s25], [sflag:s23] =	dma.local [hbm:s10], $0x500  }
0x68: {  	_ =	swait.ge [sflag:s12], $0x500  }
0x69: {  	[sflag:s12] =	ssyncset.done $0x0  }
0x6a: {  	s15 =	rddreg [dreg:$0x19];
	[sflag:s12] =	ssyncadd.s32 $0xFFFFFB00  }
0x6b: {  	[spmem:s15], [sflag:s30] =	dma.local [hbm:s6], $0xA0  }
0x6c: {  	_ =	swait.ge [sflag:s14], $0xA0  }
0x6d: {  	[sflag:s14] =	ssyncset.done $0x0  }
0x6e: {  	s24 =	rddreg [dreg:$0x1a];
	[sflag:s14] =	ssyncadd.s32 $0xFFFFFF60  }
0x6f: {  	[spmem:s24], [sflag:s23] =	dma.local [hbm:s10], $0x500  }
0x70: {  	_ =	swait.ge [sflag:s12], $0x500  }
0x71: {  	[sflag:s12] =	ssyncset.done $0x0  }
0x72: {  	s25 =	rddreg [dreg:$0x1b];
	[sflag:s12] =	ssyncadd.s32 $0xFFFFFB00  }
0x73: {  	[spmem:s25], [sflag:s30] =	dma.local [hbm:s6], $0xA0  }
0x74: {  	_ =	swait.ge [sflag:s14], $0xA0  }
0x75: {  	[sflag:s14] =	ssyncset.done $0x0  }
0x76: {  	s15 =	rddreg [dreg:$0x1c];
	[sflag:s14] =	ssyncadd.s32 $0xFFFFFF60  }
0x77: {  	[spmem:s15], [sflag:s23] =	dma.local [hbm:s10], $0x500  }
0x78: {  	_ =	swait.ge [sflag:s12], $0x500  }
0x79: {  	[sflag:s12] =	ssyncset.done $0x0  }
0x7a: {  	s24 =	rddreg [dreg:$0x1d];
	[sflag:s12] =	ssyncadd.s32 $0xFFFFFB00  }
0x7b: {  	[spmem:s24], [sflag:s30] =	dma.local [hbm:s6], $0xA0  }
0x7c: {  	_ =	swait.ge [sflag:s14], $0xA0  }
0x7d: {  	[sflag:s14] =	ssyncset.done $0x0  }
0x7e: {  	s25 =	rddreg [dreg:$0x1e];
	[sflag:s14] =	ssyncadd.s32 $0xFFFFFF60  }
0x7f: {  	[spmem:s25], [sflag:s23] =	dma.local [hbm:s10], $0x500  }
0x80: {  	_ =	swait.ge [sflag:s12], $0x500  }
0x81: {  	[sflag:s12] =	ssyncset.done $0x0  }
0x82: {  	s15 =	rddreg [dreg:$0x1f];
	[sflag:s12] =	ssyncadd.s32 $0xFFFFFB00  }
0x83: {  	[spmem:s15], [sflag:s30] =	dma.local [hbm:s6], $0xA0  }
0x84: {  	_ =	swait.ge [sflag:s14], $0xA0  }
0x85: {  	s24 =	sld [smem:$0x7F4]  }
0x86: {  	[sflag:s14] =	ssyncset.done $0x0  }
0x87: {  	[sflag:s14] =	ssyncadd.s32 $0xFFFFFF60  }
0x88: {  	[spmem:s24], [sflag:s23] =	dma.local [hbm:s10], $0x500  }
0x89: {  	_ =	swait.ge [sflag:s12], $0x500  }
0x8a: {  	s25 =	sld [smem:$0x7F5]  }
0x8b: {  	[sflag:s12] =	ssyncset.done $0x0  }
0x8c: {  	[sflag:s12] =	ssyncadd.s32 $0xFFFFFB00  }
0x8d: {  	[spmem:s25], [sflag:s30] =	dma.local [hbm:s6], $0xA0  }
0x8e: {  	_ =	swait.ge [sflag:s14], $0xA0  }
0x8f: {  	s2 =	sld [smem:$0x7F6]  }
0x90: {  	[sflag:s14] =	ssyncset.done $0x0  }
0x91: {  	[sflag:s14] =	ssyncadd.s32 $0xFFFFFF60  }
0x92: {  	[spmem:s2], [sflag:s23] =	dma.local @!p1 [hbm:s10], $0x500  }
0x93: {  	s2 =	simm.s32 @!p1 $0xB  }
0x94: {  	_ =	swait.ge @!p1 [sflag:s2], $0x500  }
0x95: {  	[sflag:s2] =	ssyncset.done @!p1 $0x0  }
0x96: {  	[sflag:s2] =	ssyncadd.s32 @!p1 $0xFFFFFB00;
	s2 =	sld [smem:$0x7F7];
	_ =	sdelay $0x2  }
0x97: {  	[spmem:s2], [sflag:s30] =	dma.local @!p1 [hbm:s6], $0xA0  }
0x98: {  	s2 =	simm.s32 @!p1 $0xA  }
0x99: {  	_ =	swait.ge @!p1 [sflag:s2], $0xA0  }
0x9a: {  	[sflag:s2] =	ssyncset.done @!p1 $0x0  }
0x9b: {  	[sflag:s2] =	ssyncadd.s32 @!p1 $0xFFFFFF60  }
0x9c: {  	[bflag:$0x0] =	sbarrier.arrive $0xFFFF  }
0x9d: {  	s10 =	sld [smem:$0x7FA];
	_ =	sdelay $0x1  }
0x9e: {  	s31 =	simm.s32 $0x0;
	s12 =	simm.s32 $0x16360;
	s14 =	sld [smem:$0x7FB]  }
0x9f: {  	[tilespmem:s12], [sflag:$0x3] =	stream.linear.gather [hbm4b:s10+s31], $0x80, $0x38;
	[tilespmem:$0x1EE60] =	vst v63  }
0xa0: {  	s15 =	simm.s32 $0x16560;
	s24 =	sld [smem:$0x7FC]  }
0xa1: {  	[tilespmem:s15], [sflag:$0x3] =	stream.linear.gather [hbm4b:s14+s31], $0x80, $0x38;
	[tilespmem:$0x1EE60] =	vst v63  }
0xa2: {  	s25 =	sld [smem:$0x7FD]  }
0xa3: {  	[tilespmem:s26], [sflag:$0x4] =	stream.linear.gather [hbm4b:s24+s31], $0x80, $0x38;
	[tilespmem:$0x1EE60] =	vst v63  }
0xa4: {  	_ = 	snop  }
0xa5: {  	[tilespmem:s28], [sflag:$0x4] =	stream.linear.gather [hbm4b:s25+s31], $0x80, $0x38;
	[tilespmem:$0x1EE60] =	vst v63  }
0xa6: {  	_ =	swait.ge [sflag:s29], $0x80  }
0xa7: {  	[sflag:s29] =	ssyncset.done $0x0  }
0xa8: {  	[sflag:s29] =	ssyncadd.s32 $0xFFFFFF80  }
0xa9: {  	_ =	swait.ge [sflag:s29], $0x80  }
0xaa: {  	[sflag:s29] =	ssyncset.done $0x0  }
0xab: {  	s2 =	simm.s32 $0x0;
	[sflag:s29] =	ssyncadd.s32 $0xFFFFFF80  }
0xac: {  	[tilespmem:s19], [sflag:$0x6] =	stream.indirect.gather [hbm4b:s0+s9], $0x80, s11, s9, $0xb8;
	[tilespmem:$0x1EE60] =	vst v63  }
.LBB2_4:
0xad: {  	_ =	swait.ge [sflag:s20], $0x4000;
	s6 =	simm.s32 $0x16460;
	p3 =	sgt.u32 s2, $0x9  }
0xae: {  	[sflag:s20] =	ssyncset.done $0x0;
	p2 =	por !p3, !p3;
	s14 =	rddreg [dreg:$0xd]  }
0xaf: {  	[sflag:s20] =	ssyncadd.s32 $0xFFFFC000;
	p2 =	por @!p0 p3, p3;
	p6 =	seq.s32 s14, s31  }
0xb0: {  	[spmem:s3] =	stream.indirect.scatter.add.f32 [tilespmem:s22], [sflag:$0x7], $0x80, s6, s9, $0xb8;
	[tilespmem:$0x1EE60] =	vst v63  }
0xb1: {  	p3 =	por !p2, p6  }
0xb2: {  	s6 =	simm.s32 @!p3 $0x9  }
0xb3: {  	_ =	swait.ge @!p3 [sflag:s6], $0x800  }
0xb4: {  	s12 =	simm.s32 @p2 $0x80;
	[sflag:s6] =	ssyncset.done @!p3 $0x0  }
0xb5: {  	s24 =	simm.s32 @p2 $0x1E660;
	[sflag:s6] =	ssyncadd.s32 @!p3 $0xFFFFF800;
	s6 =	simm.s32 @p2 $0x16460  }
0xb6: {  	[spmem:s4] =	stream.indirect.scatter.add.f32 @p2 [tilespmem:s24], [sflag:$0x9], $0x10, s6, s12, $0xb8;
	[tilespmem:$0x1EE60] =	vst v63  }
0xb7: {  	p3 =	seq.s32 s31, $0x4C0;
	_ =	swait.ge [sflag:s13], $0x4000  }
0xb8: {  	s6 =	sadd.s32 @!p3 s31, s17;
	[sflag:s13] =	ssyncset.done $0x0  }
0xb9: {  	s14 =	simm.s32 @!p3 $0x0;
	s25 =	simm.s32 @!p3 $0x16260;
	[sflag:s13] =	ssyncadd.s32 $0xFFFFC000  }
0xba: {  	[tilespmem:s25], [sflag:$0x1] =	stream.linear.gather @!p3 [hbm4b:s6+s14], $0x80, $0x38;
	[tilespmem:$0x1EE60] =	vst v63  }
0xbb: {  	s6 =	sadd.s32 @!p3 s31, s18  }
0xbc: {  	s11 =	simm.s32 @!p3 $0x16460;
	s10 =	sadd.s32 @!p3 $0x40, s6  }
0xbd: {  	[tilespmem:s11], [sflag:$0x1] =	stream.linear.gather @!p3 [hbm4b:s10+s14], $0x80, $0x38;
	[tilespmem:$0x1EE60] =	vst v63  }
0xbe: {  	_ =	swait.ge [sflag:s21], $0x80  }
0xbf: {  	[sflag:s21] =	ssyncset.done $0x0  }
0xc0: {  	[sflag:s21] =	ssyncadd.s32 $0xFFFFFF80  }
0xc1: {  	_ =	swait.ge [sflag:s21], $0x80  }
0xc2: {  	[sflag:s21] =	ssyncset.done $0x0  }
0xc3: {  	s15 =	simm.s32 $0x16360;
	[sflag:s21] =	ssyncadd.s32 $0xFFFFFF80  }
0xc4: {  	[tilespmem:s22], [sflag:$0x5] =	stream.indirect.gather [hbm4b:s0+s9], $0x80, s15, s9, $0xb8;
	[tilespmem:$0x1EE60] =	vst v63  }
0xc5: {  	_ =	swait.ge [sflag:s1], $0x4000  }
0xc6: {  	[sflag:s1] =	ssyncset.done $0x0  }
0xc7: {  	s11 =	simm.s32 $0x164E0;
	s10 =	simm.s32 @p2 $0x9;
	[sflag:s1] =	ssyncadd.s32 $0xFFFFC000  }
0xc8: {  	[spmem:s3] =	stream.indirect.scatter.add.f32 [tilespmem:s19], [sflag:$0x8], $0x80, s11, s9, $0xb8;
	[tilespmem:$0x1EE60] =	vst v63  }
0xc9: {  	_ =	swait.ge @p2 [sflag:s10], $0x800  }
0xca: {  	[sflag:s10] =	ssyncset.done @p2 $0x0  }
0xcb: {  	s11 =	simm.s32 @p2 $0x164E0;
	[sflag:s10] =	ssyncadd.s32 @p2 $0xFFFFF800  }
0xcc: {  	[spmem:s4] =	stream.indirect.scatter.add.f32 @p2 [tilespmem:s24], [sflag:$0x9], $0x10, s11, s12, $0xb8;
	[tilespmem:$0x1EE60] =	vst v63  }
0xcd: {  	_ =	swait.ge [sflag:s8], $0x4000  }
0xce: {  	s11 =	sld [smem:$0x7F3];
	_ =	sdelay $0x1  }
0xcf: {  	[sflag:s8] =	ssyncset.done $0x0  }
0xd0: {  	s15 =	simm.s32 @!p3 $0x162E0;
	[sflag:s8] =	ssyncadd.s32 $0xFFFFC000;
	s11 =	sadd.s32 @!p3 s31, s11  }
0xd1: {  	[tilespmem:s15], [sflag:$0x2] =	stream.linear.gather @!p3 [hbm4b:s11+s14], $0x80, $0x38;
	[tilespmem:$0x1EE60] =	vst v63  }
0xd2: {  	s11 =	sadd.s32 @!p3 $0x50, s6;
	s15 =	simm.s32 @!p3 $0x164E0  }
0xd3: {  	[tilespmem:s15], [sflag:$0x2] =	stream.linear.gather @!p3 [hbm4b:s11+s14], $0x80, $0x38;
	[tilespmem:$0x1EE60] =	vst v63  }
0xd4: {  	_ =	swait.ge [sflag:s7], $0x80  }
0xd5: {  	[sflag:s7] =	ssyncset.done $0x0  }
0xd6: {  	[sflag:s7] =	ssyncadd.s32 $0xFFFFFF80  }
0xd7: {  	_ =	swait.ge [sflag:s7], $0x80  }
0xd8: {  	[sflag:s7] =	ssyncset.done $0x0  }
0xd9: {  	[sflag:s7] =	ssyncadd.s32 $0xFFFFFF80  }
0xda: {  	[tilespmem:s19], [sflag:$0x6] =	stream.indirect.gather [hbm4b:s0+s9], $0x80, s26, s9, $0xb8;
	[tilespmem:$0x1EE60] =	vst v63  }
0xdb: {  	_ =	swait.ge [sflag:s20], $0x4000  }
0xdc: {  	[sflag:s20] =	ssyncset.done $0x0  }
0xdd: {  	s15 =	simm.s32 $0x16560;
	[sflag:s20] =	ssyncadd.s32 $0xFFFFC000  }
0xde: {  	[spmem:s3] =	stream.indirect.scatter.add.f32 [tilespmem:s22], [sflag:$0x7], $0x80, s15, s9, $0xb8;
	[tilespmem:$0x1EE60] =	vst v63  }
0xdf: {  	_ =	swait.ge @p2 [sflag:s10], $0x800  }
0xe0: {  	[sflag:s10] =	ssyncset.done @p2 $0x0  }
0xe1: {  	s11 =	simm.s32 @p2 $0x16560;
	[sflag:s10] =	ssyncadd.s32 @p2 $0xFFFFF800  }
0xe2: {  	[spmem:s4] =	stream.indirect.scatter.add.f32 @p2 [tilespmem:s24], [sflag:$0x9], $0x10, s11, s12, $0xb8;
	[tilespmem:$0x1EE60] =	vst v63  }
0xe3: {  	s11 =	simm.s32 @!p3 $0x7  }
0xe4: {  	_ =	swait.ge @!p3 [sflag:s11], $0x4000  }
0xe5: {  	[sflag:s11] =	ssyncset.done @!p3 $0x0  }
0xe6: {  	[sflag:s11] =	ssyncadd.s32 @!p3 $0xFFFFC000;
	s11 =	rddreg [dreg:$0x12]  }
0xe7: {  	s15 =	simm.s32 @!p3 $0x16360;
	s11 =	sadd.s32 @!p3 s31, s11  }
0xe8: {  	[tilespmem:s15], [sflag:$0x3] =	stream.linear.gather @!p3 [hbm4b:s11+s14], $0x80, $0x38;
	[tilespmem:$0x1EE60] =	vst v63  }
0xe9: {  	s6 =	sadd.s32 @!p3 $0x60, s6;
	s11 =	simm.s32 @!p3 $0x16560  }
0xea: {  	[tilespmem:s11], [sflag:$0x3] =	stream.linear.gather @!p3 [hbm4b:s6+s14], $0x80, $0x38;
	[tilespmem:$0x1EE60] =	vst v63  }
0xeb: {  	s6 =	simm.s32 @!p3 $0x1  }
0xec: {  	_ =	swait.ge @!p3 [sflag:s6], $0x80  }
0xed: {  	[sflag:s6] =	ssyncset.done @!p3 $0x0  }
0xee: {  	[sflag:s6] =	ssyncadd.s32 @!p3 $0xFFFFFF80  }
0xef: {  	_ =	swait.ge @!p3 [sflag:s6], $0x80  }
0xf0: {  	[sflag:s6] =	ssyncset.done @!p3 $0x0  }
0xf1: {  	s11 =	simm.s32 @!p3 $0x16660;
	[sflag:s6] =	ssyncadd.s32 @!p3 $0xFFFFFF80;
	s6 =	simm.s32 @!p3 $0x80  }
0xf2: {  	[tilespmem:s11], [sflag:$0x5] =	stream.indirect.gather @!p3 [hbm4b:s0+s6], $0x80, s25, s6, $0xb8;
	[tilespmem:$0x1EE60] =	vst v63  }
0xf3: {  	_ =	swait.ge [sflag:s1], $0x4000  }
0xf4: {  	[sflag:s1] =	ssyncset.done $0x0  }
0xf5: {  	[sflag:s1] =	ssyncadd.s32 $0xFFFFC000  }
0xf6: {  	[spmem:s3] =	stream.indirect.scatter.add.f32 [tilespmem:s19], [sflag:$0x8], $0x80, s28, s9, $0xb8;
	[tilespmem:$0x1EE60] =	vst v63  }
0xf7: {  	_ =	swait.ge @p2 [sflag:s10], $0x800  }
0xf8: {  	[sflag:s10] =	ssyncset.done @p2 $0x0  }
0xf9: {  	s6 =	simm.s32 @p2 $0x165E0;
	[sflag:s10] =	ssyncadd.s32 @p2 $0xFFFFF800  }
0xfa: {  	[spmem:s4] =	stream.indirect.scatter.add.f32 @p2 [tilespmem:s24], [sflag:$0x9], $0x10, s6, s12, $0xb8;
	[tilespmem:$0x1EE60] =	vst v63  }
0xfb: {  	s6 =	rddreg [dreg:$0xe]  }
0xfc: {  	p4 =	sne.s32 @p2 s6, s31  }
.Ltmp1:
0xfd: {  	p2 =	por p4, !p2;
	(pc) =	sbr.rel @p3 .LBB2_6-.Ltmp1, $4  }
0xfe: {  	s6 =	simm.s32 @!p2 $0x9  }
0xff: {  	_ =	swait.ge @!p2 [sflag:s6], $0x800  }
0x100: {  	[sflag:s6] =	ssyncset.done @!p2 $0x0  }
0x101: {  	[sflag:s6] =	ssyncadd.s32 @!p2 $0xFFFFF800  }
0x102: {  	_ =	swait.ge [sflag:s8], $0x4000  }
0x103: {  	s10 =	simm.s32 $0x0;
	[sflag:s8] =	ssyncset.done $0x0;
	s6 =	rddreg [dreg:$0x11]  }
0x104: {  	s25 =	sadd.s32 s31, s18;
	[sflag:s8] =	ssyncadd.s32 $0xFFFFC000;
	s6 =	sadd.s32 s31, s6  }
0x105: {  	[tilespmem:s26], [sflag:$0x4] =	stream.linear.gather [hbm4b:s6+s10], $0x80, $0x38;
	[tilespmem:$0x1EE60] =	vst v63  }
0x106: {  	s6 =	sadd.s32 $0x70, s25  }
0x107: {  	[tilespmem:s28], [sflag:$0x4] =	stream.linear.gather [hbm4b:s6+s10], $0x80, $0x38;
	[tilespmem:$0x1EE60] =	vst v63  }
0x108: {  	_ =	swait.ge [sflag:s29], $0x80  }
0x109: {  	[sflag:s29] =	ssyncset.done $0x0  }
.Ltmp2:
0x10a: {  	[sflag:s29] =	ssyncadd.s32 $0xFFFFFF80;
	(pc) =	sbr.rel .LBB2_4-.Ltmp2, $4  }
0x10b: {  	_ =	swait.ge [sflag:s29], $0x80  }
0x10c: {  	[sflag:s29] =	ssyncset.done $0x0  }
0x10d: {  	s2 =	sadd.s32 $0x1, s2;
	s31 =	sadd.s32 $0x40, s31;
	[sflag:s29] =	ssyncadd.s32 $0xFFFFFF80  }
0x10e: {  	[tilespmem:s19], [sflag:$0x6] =	stream.indirect.gather [hbm4b:s0+s9], $0x80, s16, s9, $0xb8;
	[tilespmem:$0x1EE60] =	vst v63  }
.LBB2_6:
0x10f: {  	_ =	swait.ge [sflag:s13], $0x4000  }
0x110: {  	[sflag:s13] =	ssyncset.done $0x0  }
0x111: {  	[sflag:s13] =	ssyncadd.s32 $0xFFFFC000  }
0x112: {  	_ =	swait.ge [sflag:s8], $0x4000  }
0x113: {  	[sflag:s8] =	ssyncset.done $0x0  }
0x114: {  	[sflag:s8] =	ssyncadd.s32 $0xFFFFC000  }
0x115: {  	s2 =	sadd.s32 $0x0, s5;
	[bflag:$0x0] =	sbarrier.arrive $0xFFFF  }
0x116: {  	p2 =	sgt.u32 s2, $0x7C;
	s10 =	rddreg [dreg:$0x10]  }
0x117: {  	s6 =	simm.s32 @!p2 $0xB;
	s11 =	rddreg [dreg:$0x13];
	s2 =	sshrl.u32 @!p2 s10, $0x3  }
0x118: {  	[hbm:s11], [sflag:s23] =	dma.local @!p2 [spmem:s2], $0x500  }
0x119: {  	s24 =	simm.s32 $0x20;
	s14 =	simm.s32 @!p2 $0xA;
	_ =	swait.ge @!p2 [sflag:s6], $0x500  }
0x11a: {  	s25 =	sadd.s32 $0x5000, s11;
	[sflag:s6] =	ssyncset.done @!p2 $0x0;
	s15 =	rddreg [dreg:$0x15]  }
0x11b: {  	s12 =	rddreg [dreg:$0x14];
	[sflag:s6] =	ssyncadd.s32 @!p2 $0xFFFFFB00;
	s6 =	sshrl.u32 @!p2 s15, $0x3  }
0x11c: {  	[hbm:s12], [sflag:s30] =	dma.local @!p2 [spmem:s6], $0xA0  }
0x11d: {  	s31 =	sadd.s32 $0x28000, s10;
	s2 =	sadd.s32 $0xA00, s12;
	_ =	swait.ge @!p2 [sflag:s14], $0xA0  }
0x11e: {  	s12 =	sadd.s32 $0x5000, s15;
	s6 =	sadd.s32 $0x10, s5;
	[sflag:s14] =	ssyncset.done @!p2 $0x0  }
.LBB2_7:
0x11f: {  	[sflag:s14] =	ssyncadd.s32 @!p2 $0xFFFFFF60;
	p2 =	sgt.u32 s6, $0x7C  }
0x120: {  	s6 =	smov.u32 s24;
	s24 =	sadd.s32 $0x10, s24;
	s10 =	smov.u32 s2  }
0x121: {  	p3 =	sne.s32 s24, $0x80;
	s11 =	sshrl.u32 @!p2 s31, $0x3;
	s14 =	simm.s32 @!p2 $0xB  }
0x122: {  	[hbm:s25], [sflag:s23] =	dma.local @!p2 [spmem:s11], $0x500  }
0x123: {  	_ =	swait.ge @!p2 [sflag:s14], $0x500  }
.Ltmp3:
0x124: {  	s2 =	sadd.s32 $0xA00, s2;
	[sflag:s14] =	ssyncset.done @!p2 $0x0;
	(pc) =	sbr.rel @p3 .LBB2_7-.Ltmp3, $4  }
0x125: {  	s11 =	sshrl.u32 @!p2 s12, $0x3;
	[sflag:s14] =	ssyncadd.s32 @!p2 $0xFFFFFB00;
	s14 =	simm.s32 @!p2 $0xA  }
0x126: {  	[hbm:s10], [sflag:s30] =	dma.local @!p2 [spmem:s11], $0xA0  }
0x127: {  	s25 =	sadd.s32 $0x5000, s25;
	s12 =	sadd.s32 $0x5000, s12;
	_ =	swait.ge @!p2 [sflag:s14], $0xA0  }
0x128: {  	s6 =	sadd.s32 s6, s5;
	s31 =	sadd.s32 $0x28000, s31;
	[sflag:s14] =	ssyncset.done @!p2 $0x0  }
0x129: {  	p3 =	sgt.u32 s6, $0x7C  }
0x12a: {  	[sflag:s14] =	ssyncadd.s32 @!p2 $0xFFFFFF60;
	s6 =	sshrl.u32 @!p3 s31, $0x3;
	s10 =	simm.s32 @!p3 $0xB  }
0x12b: {  	[hbm:s25], [sflag:s23] =	dma.local @!p3 [spmem:s6], $0x500  }
0x12c: {  	_ =	swait.ge @!p3 [sflag:s10], $0x500  }
0x12d: {  	[sflag:s10] =	ssyncset.done @!p3 $0x0  }
0x12e: {  	s6 =	sshrl.u32 @!p3 s12, $0x3;
	[sflag:s10] =	ssyncadd.s32 @!p3 $0xFFFFFB00;
	s10 =	simm.s32 @!p3 $0xA  }
0x12f: {  	[hbm:s2], [sflag:s30] =	dma.local @!p3 [spmem:s6], $0xA0  }
0x130: {  	_ =	swait.ge @!p3 [sflag:s10], $0xA0  }
0x131: {  	s30 =	sld [smem:$0x7F2];
	_ =	sdelay $0x2  }
0x132: {  	s31 =	rddreg [dreg:$0xf];
	s6 =	sadd.s32 $0x1, s30  }
0x133: {  	p2 =	sne.s32 s6, s31  }
.Ltmp4:
0x134: {  	_ = 	snop;
	(pc) =	sbr.rel @p2 .LBB2_1-.Ltmp4, $3  }
0x135: {  	_ =	sdelay $0x1  }
0x136: {  	[sflag:s10] =	ssyncset.done @!p3 $0x0  }
0x137: {  	[sflag:s10] =	ssyncadd.s32 @!p3 $0xFFFFFF60  }
0x138: {  	_ =	sfence.sel $0x180000  }
0x139: {  	[bflag:$0x0] =	sbarrier.arrive $0xFFFF  }
0x13a: {  	_ =	strace $0x90000047  }
0x13b: {  	[bflag:$0x2] =	sbarrier.arrive $0xFFFF  }
0x13c: {  	p0 =	sne.s32 s5, $0x0;
	s0 =	rddreg [dreg:$0x9]  }
0x13d: {  	s0 =	sadd.s32 @!p0 $0x100000, s0  }
0x13e: {  	[sflag:s0] =	ssyncadd.tile.s32 @!p0 $0x1;
	_ =	shalt  }
.Lfunc_end2:
_tile_overlayer_lowered:
.L_overlay_start_2:
0x13f: {  	(tag) =	ssettag $0x2  }
0x140: {  	s0 =	rddreg [dreg:$0x0];
	s2 =	stileid.u32  }
0x141: {  	s1 =	rddreg [dreg:$0x1];
	p0 =	sne.s32 s2, $0x0  }
0x142: {  	s3 =	rddreg [dreg:$0x2];
	[bflag:$0x3] =	sbarrier.arrive $0xFFFF;
	s2 =	simm.s32 @!p0 $0x1C0A  }
0x143: {  	[timem:s3], [sflag:s2] =	dma.local @!p0 [hbm:s0], s1  }
0x144: {  	s0 =	simm.s32 @!p0 $0xA  }
0x145: {  	_ =	swait.ge @!p0 [sflag:s0], s1  }
0x146: {  	s1 =	ssub.s32 @!p0 $0x0, s1;
	[sflag:s0] =	ssyncset.done @!p0 $0x0  }
0x147: {  	[sflag:s0] =	ssyncadd.s32 @!p0 s1  }
0x148: {  	[bflag:$0x3] =	sbarrier.arrive $0xFFFF  }
0x149: {  	_ =	shalt  }

</sc_bundles>
